<compile_context>
chip_gen: v7x
topology: tpu7x:2x2x1
jax: 0.10.2.dev20260603
libtpu: 0.0.44.dev20260713+nightly
codegen_flags: <defaults>
</compile_context>

<pallas_src>
import functools

import jax
import jax.numpy as jnp
from jax import lax
from jax.experimental import pallas as pl
from jax.experimental.pallas import tpu as pltpu
from jax.experimental.pallas import tpu_sc as plsc

_V = 100000
_D = 128
_B = 4096
_NS = 20
_NTILE = 16
_NW = 32
_VP = 102400
_CHUNK = _VP // _NTILE
_NVREG = _CHUNK // 16
_BG = _B // _NTILE
_CT = 512
_GRID = _B // _CT


def _merge16(ak, av, bk, bv):
    brk = lax.rev(bk, (0,))
    brv = lax.rev(bv, (0,))
    m = ak >= brk
    hik = jnp.where(m, ak, brk)
    hiv = jnp.where(m, av, brv)
    lok = jnp.where(m, brk, ak)
    lov = jnp.where(m, brv, av)
    hik, hiv = plsc.sort_key_val(hik, hiv)
    lok, lov = plsc.sort_key_val(lok, lov)
    return hik, hiv, lok, lov


def _gather_body(tgt_hbm, w_hbm, b128_hbm, wt_out, bt_out,
                 rows_v, brows_v, bstage_v, gidx_v, ridx_v, sem1, sem2):
    sid = lax.axis_index("s")
    lane = lax.iota(jnp.int32, 16)
    if True:
        base = sid * _BG
        pltpu.sync_copy(tgt_hbm.at[pl.ds(base, _BG)], gidx_v)
        wcopy = pltpu.async_copy(w_hbm.at[gidx_v], rows_v, sem1)

        def rstep(j, carry):
            r = j * 16 + lane
            tv = plsc.load_gather(gidx_v, [r])
            plsc.store_scatter(ridx_v, [r], tv >> 7)
            return carry

        lax.fori_loop(0, _BG // 16, rstep, 0)
        bcopy = pltpu.async_copy(b128_hbm.at[ridx_v], brows_v, sem2)
        wcopy.wait()
        pltpu.sync_copy(rows_v, wt_out.at[pl.ds(base, _BG)])
        bcopy.wait()

        def bstep(j, carry):
            r = j * 16 + lane
            tv = plsc.load_gather(gidx_v, [r])
            val = plsc.load_gather(brows_v, [r, tv & 127])
            plsc.store_scatter(bstage_v, [r], val)
            return carry

        lax.fori_loop(0, _BG // 16, bstep, 0)
        pltpu.sync_copy(bstage_v, bt_out.at[pl.ds(base, _BG)])


@functools.cache
def _make_gather_kernel():
    return functools.partial(
        pl.kernel,
        out_type=[
            jax.ShapeDtypeStruct((_B, _D), jnp.float32),
            jax.ShapeDtypeStruct((_B,), jnp.float32),
        ],
        mesh=plsc.VectorSubcoreMesh(core_axis_name="c", subcore_axis_name="s",
                                    num_cores=1, num_subcores=_NTILE),
        scratch_types=[
            pltpu.VMEM((_BG, _D), jnp.float32),
            pltpu.VMEM((_BG, _D), jnp.float32),
            pltpu.VMEM((_BG,), jnp.float32),
            pltpu.VMEM((_BG,), jnp.int32),
            pltpu.VMEM((_BG,), jnp.int32),
            pltpu.SemaphoreType.DMA,
            pltpu.SemaphoreType.DMA,
        ],
        compiler_params=pltpu.CompilerParams(needs_layout_passes=False),
        name="sc_gather",
    )(_gather_body)


def _sample_body(lp_hbm, e0_hbm, tgt_hbm, w_hbm, b128_hbm,
                 wn_out, bn_out,
                 lp_v, e0_v, tgt_v, rows_v, brows_v, bstage_v,
                 nidx_v, nridx_v, ck_v, ci_v, t1k, t1v, t2k, t2v, thr_s,
                 candk_sh, candi_sh, sem1, sem2):
    sid = lax.axis_index("s")
    lane = lax.iota(jnp.int32, 16)
    if True:
        base = sid * _CHUNK
        pltpu.sync_copy(lp_hbm.at[pl.ds(base, _CHUNK)], lp_v)
        pltpu.sync_copy(e0_hbm.at[pl.ds(base, _CHUNK)], e0_v)
        pltpu.sync_copy(tgt_hbm, tgt_v)

        zero16 = jnp.zeros((16,), jnp.float32)

        def zstep(j, carry):
            for u in range(4):
                tv = plsc.load_gather(tgt_v, [(j * 4 + u) * 16 + lane])
                msk = (tv >= base) & (tv < base + _CHUNK)
                loc = jnp.where(msk, tv - base, 0)
                plsc.store_scatter(lp_v, [loc], zero16, mask=msk)
            return carry

        lax.fori_loop(0, _B // 64, zstep, 0)

        neg1 = jnp.full((16,), -1.0, jnp.float32)
        zi = jnp.zeros((16,), jnp.int32)
        t1k[...] = neg1
        t1v[...] = zi
        t2k[...] = neg1
        t2v[...] = zi
        thr_s[0] = -1.0

        def sstep(i, carry):
            idxs, dks = [], []
            for u in range(4):
                idx = (i * 4 + u) * 16 + lane
                dk = plsc.load_gather(lp_v, [idx]) * plsc.load_gather(e0_v, [idx])
                idxs.append(idx)
                dks.append(dk)
            gmax = jnp.maximum(jnp.maximum(dks[0], dks[1]),
                               jnp.maximum(dks[2], dks[3]))

            @pl.when(jnp.max(gmax) > thr_s[0])
            def _m():
                for u in range(4):
                    dks_s, dvs_s = plsc.sort_key_val(dks[u], idxs[u] + base)
                    h1k, h1v, lok, lov = _merge16(t1k[...], t1v[...], dks_s, dvs_s)
                    h2k, h2v, _, _ = _merge16(t2k[...], t2v[...], lok, lov)
                    t1k[...] = h1k
                    t1v[...] = h1v
                    t2k[...] = h2k
                    t2v[...] = h2v
                thr_s[0] = jnp.min(t2k[...])

            return carry

        lax.fori_loop(0, _NVREG // 4, sstep, 0)

        ck_v[pl.ds(0, 16)] = t1k[...]
        ck_v[pl.ds(16, 16)] = t2k[...]
        ci_v[pl.ds(0, 16)] = t1v[...]
        ci_v[pl.ds(16, 16)] = t2v[...]
        pltpu.sync_copy(ck_v, candk_sh.at[pl.ds(sid * 32, 32)])
        pltpu.sync_copy(ci_v, candi_sh.at[pl.ds(sid * 32, 32)])
        plsc.subcore_barrier()

        @pl.when(sid == 0)
        def _final():
            pltpu.sync_copy(candk_sh, lp_v.at[pl.ds(0, 512)])
            pltpu.sync_copy(candi_sh, tgt_v.at[pl.ds(0, 512)])
            t1k[...] = neg1
            t1v[...] = zi
            t2k[...] = neg1
            t2v[...] = zi

            def fstep(i, carry):
                r = i * 16 + lane
                dk = plsc.load_gather(lp_v, [r])
                dv = plsc.load_gather(tgt_v, [r])
                dks_s, dvs_s = plsc.sort_key_val(dk, dv)
                h1k, h1v, lok, lov = _merge16(t1k[...], t1v[...], dks_s, dvs_s)
                h2k, h2v, _, _ = _merge16(t2k[...], t2v[...], lok, lov)
                t1k[...] = h1k
                t1v[...] = h1v
                t2k[...] = h2k
                t2v[...] = h2v
                return carry

            lax.fori_loop(0, 32, fstep, 0)
            for i in range(8):
                nidx_v[pl.ds(i * 16, 16)] = zi
            nidx_v[pl.ds(0, 16)] = t1v[...]
            plsc.store_scatter(nidx_v, [lane + 4], t2v[...], mask=lane >= 12)
            pltpu.async_copy(w_hbm.at[nidx_v], rows_v, sem1).wait()
            pltpu.sync_copy(rows_v, wn_out)
            for j in range(8):
                r = j * 16 + lane
                nv = plsc.load_gather(nidx_v, [r])
                plsc.store_scatter(nridx_v, [r], nv >> 7)
            pltpu.async_copy(b128_hbm.at[nridx_v], brows_v, sem2).wait()
            for j in range(8):
                r = j * 16 + lane
                nv = plsc.load_gather(nidx_v, [r])
                val = plsc.load_gather(brows_v, [r, nv & 127])
                plsc.store_scatter(bstage_v, [r], val)
            pltpu.sync_copy(bstage_v, bn_out)


@functools.cache
def _make_sample_kernel():
    return functools.partial(
        pl.kernel,
        out_type=[
            jax.ShapeDtypeStruct((128, _D), jnp.float32),
            jax.ShapeDtypeStruct((128,), jnp.float32),
        ],
        mesh=plsc.VectorSubcoreMesh(core_axis_name="c", subcore_axis_name="s",
                                    num_cores=1, num_subcores=_NTILE),
        scratch_types=[
            pltpu.VMEM((_CHUNK,), jnp.float32),
            pltpu.VMEM((_CHUNK,), jnp.float32),
            pltpu.VMEM((_B,), jnp.int32),
            pltpu.VMEM((128, _D), jnp.float32),
            pltpu.VMEM((128, _D), jnp.float32),
            pltpu.VMEM((128,), jnp.float32),
            pltpu.VMEM((128,), jnp.int32),
            pltpu.VMEM((128,), jnp.int32),
            pltpu.VMEM((32,), jnp.float32),
            pltpu.VMEM((32,), jnp.int32),
            pltpu.VMEM((16,), jnp.float32),
            pltpu.VMEM((16,), jnp.int32),
            pltpu.VMEM((16,), jnp.float32),
            pltpu.VMEM((16,), jnp.int32),
            pltpu.SMEM((1,), jnp.float32),
            pltpu.VMEM_SHARED((512,), jnp.float32),
            pltpu.VMEM_SHARED((512,), jnp.int32),
            pltpu.SemaphoreType.DMA,
            pltpu.SemaphoreType.DMA,
        ],
        compiler_params=pltpu.CompilerParams(needs_layout_passes=False),
        name="sc_sample",
    )(_sample_body)


def _log_sigmoid(x):
    return jnp.minimum(x, 0.0) - jnp.log(1.0 + jnp.exp(-jnp.abs(x)))


_LOG2E = 1.4426950408889634
_LN2 = 0.6931471805599453


def _tgt_body(f_ref, wt_ref, bt_ref, out_ref, sf_ref):
    j = pl.program_id(0)

    @pl.when(j == 0)
    def _sf():
        sf_ref[...] = jnp.sum(f_ref[...], axis=0, keepdims=True)

    lt = lax.dot_general(f_ref[...], wt_ref[...],
                         (((1,), (1,)), ((), ())),
                         preferred_element_type=jnp.float32) + bt_ref[0]
    p = lt * _LOG2E
    t = jnp.minimum(p, -p)
    lg = jnp.log(1.0 + jnp.exp2(t))
    tsum = jnp.sum(t)
    lsum = jnp.sum(lg)
    wsum = jnp.sum(wt_ref[...], axis=0, keepdims=True)
    sx = jnp.sum(sf_ref[...] * wsum) + _B * jnp.sum(bt_ref[0])
    s = 0.5 * sx + 0.5 * _LN2 * tsum - lsum

    @pl.when(j == 0)
    def _init():
        out_ref[0, 0] = s

    @pl.when(j > 0)
    def _acc():
        out_ref[0, 0] += s


_tgt_kernel = pl.pallas_call(
    _tgt_body,
    grid=(_GRID,),
    in_specs=[
        pl.BlockSpec((_B, _D), lambda j: (0, 0)),
        pl.BlockSpec((_CT, _D), lambda j: (j, 0)),
        pl.BlockSpec((1, 1, _CT), lambda j: (j, 0, 0)),
    ],
    out_specs=pl.BlockSpec(memory_space=pltpu.SMEM),
    out_shape=jax.ShapeDtypeStruct((1, 1), jnp.float32),
    scratch_shapes=[pltpu.VMEM((1, _D), jnp.float32)],
    compiler_params=pltpu.CompilerParams(
        dimension_semantics=("arbitrary",),
    ),
)


def _noise_body(f_ref, wn_ref, bn_ref, part_ref, out_ref):
    zn = -(lax.dot_general(f_ref[...], wn_ref[...],
                           (((1,), (1,)), ((), ())),
                           preferred_element_type=jnp.float32)
           + bn_ref[0])
    lsn = _log_sigmoid(zn)
    msk = lax.broadcasted_iota(jnp.int32, (_B, 128), 1) < _NS
    s = jnp.sum(jnp.where(msk, lsn, 0.0)) + part_ref[0, 0]
    out_ref[0, 0] = -s / (_B * (_B + _NS))


_noise_kernel = pl.pallas_call(
    _noise_body,
    in_specs=[
        pl.BlockSpec((_B, _D), lambda: (0, 0)),
        pl.BlockSpec((128, _D), lambda: (0, 0)),
        pl.BlockSpec((1, 1, 128), lambda: (0, 0, 0)),
        pl.BlockSpec(memory_space=pltpu.SMEM),
    ],
    out_specs=pl.BlockSpec(memory_space=pltpu.SMEM),
    out_shape=jax.ShapeDtypeStruct((1, 1), jnp.float32),
)


def kernel(feature, targets, W, b, label_probs):
    e0 = jnp.exp(jax.random.gumbel(jax.random.key(42), (_V,), jnp.float32))
    lp_p = jnp.pad(label_probs.astype(jnp.float32), (0, _VP - _V))
    e0_p = jnp.pad(e0, (0, _VP - _V))
    b128 = jnp.pad(b.astype(jnp.float32), (0, _VP - _V)).reshape(_VP // 128, 128)
    tgt = targets.astype(jnp.int32)
    wt, bt = _make_gather_kernel()(tgt, W, b128)
    wn, bn = _make_sample_kernel()(lp_p, e0_p, tgt, W, b128)

    part = _tgt_kernel(feature, wt, bt.reshape(_GRID, 1, _CT))
    out = _noise_kernel(feature, wn, bn.reshape(1, 1, 128), part)
    return out[0, 0]

# --- scband reference (transcript-rebuilt; emitter-appended) ---
"""Pipeline reference for scband-negative-sample-loss-1554778161811 (READ-ONLY COPY).

The authoritative reference and input builder live on the scoring server;
editing this copy changes nothing except your own understanding.
"""

import jax, jax.numpy as jnp
import numpy as np

VOCAB = 100000
DIM = 128
B = 4096
NUM_SAMPLES = 20

def setup_inputs(seed: int = 0) -> dict:
    key = jax.random.key(seed)
    k1, k2, k3, k4 = jax.random.split(key, 4)
    feature = jax.random.normal(k1, (B, DIM), dtype=jnp.float32)
    targets = jax.random.randint(k2, (B,), 0, VOCAB)
    W = jax.random.normal(k3, (VOCAB, DIM), dtype=jnp.float32) * 0.02
    b = jnp.zeros((VOCAB,), dtype=jnp.float32)
    # label_probs buffer: freqs**0.75 normalized (freqs drawn uniform as stand-in for vocab freqs)
    freqs = jax.random.uniform(k4, (VOCAB,), minval=1e-5, maxval=1.0) ** 0.75
    label_probs = freqs / freqs.sum()
    return {"feature": feature, "targets": targets, "W": W, "b": b, "label_probs": label_probs}

def reference(feature, targets, W, b, label_probs):
    # probs = label_probs.index_fill_(0, targets, 0)
    probs = label_probs.at[targets].set(0.0)
    probs = probs / probs.sum()
    # noises = torch.multinomial(probs, num_samples)  (without replacement)
    noises = jax.random.choice(jax.random.key(42), VOCAB, shape=(NUM_SAMPLES,), replace=False, p=probs)
    # dropout p=0.0 -> identity (eval-equivalent)
    def _output(inp, idx):
        w = jnp.take(W, idx, axis=0)           # gather rows of h2o.weight
        bb = jnp.take(b, idx, axis=0)          # gather h2o.bias
        return inp @ w.T + bb                  # F.linear
    targets_out = _output(feature, targets)    # [B, B]
    noise_out = _output(feature, noises)       # [B, NUM_SAMPLES]
    out = jnp.concatenate([targets_out, -noise_out], axis=-1)
    loss = -jax.nn.log_sigmoid(out).mean()
    return loss

if __name__ == "__main__":
    import jax
    _d = setup_inputs()
    print(jax.jit(kernel)(*tuple(_d.values())))

</pallas_src>

<mosaic_0001>
#map = affine_map<(d0, d1) -> (0)>
#map1 = affine_map<(d0, d1) -> (0, 0)>
module attributes {stable_mosaic.version = 14 : i64} {
  func.func @sc_sample(%arg0: i32, %arg1: i32, %arg2: memref<102400xf32, #tpu.memory_space<hbm>>, %arg3: memref<102400xf32, #tpu.memory_space<hbm>>, %arg4: memref<4096xi32, #tpu.memory_space<hbm>>, %arg5: memref<100000x128xf32, #tpu.memory_space<hbm>>, %arg6: memref<800x128xf32, #tpu.memory_space<hbm>>, %arg7: memref<128x128xf32, #tpu.memory_space<hbm>>, %arg8: memref<128xf32, #tpu.memory_space<hbm>>, %arg9: memref<6400xf32, #tpu.memory_space<vmem>>, %arg10: memref<6400xf32, #tpu.memory_space<vmem>>, %arg11: memref<4096xi32, #tpu.memory_space<vmem>>, %arg12: memref<128x128xf32, #tpu.memory_space<vmem>>, %arg13: memref<128x128xf32, #tpu.memory_space<vmem>>, %arg14: memref<128xf32, #tpu.memory_space<vmem>>, %arg15: memref<128xi32, #tpu.memory_space<vmem>>, %arg16: memref<128xi32, #tpu.memory_space<vmem>>, %arg17: memref<32xf32, #tpu.memory_space<vmem>>, %arg18: memref<32xi32, #tpu.memory_space<vmem>>, %arg19: memref<16xf32, #tpu.memory_space<vmem>>, %arg20: memref<16xi32, #tpu.memory_space<vmem>>, %arg21: memref<16xf32, #tpu.memory_space<vmem>>, %arg22: memref<16xi32, #tpu.memory_space<vmem>>, %arg23: memref<1xf32, #tpu.memory_space<smem>>, %arg24: memref<512xf32, #tpu.memory_space<vmem_shared>>, %arg25: memref<512xi32, #tpu.memory_space<vmem_shared>>, %arg26: memref<!tpu.dma_semaphore, #tpu.memory_space<semaphore_mem>>, %arg27: memref<!tpu.dma_semaphore, #tpu.memory_space<semaphore_mem>>) attributes {dimension_semantics = [#tpu.dimension_semantics<core_parallel>, #tpu.dimension_semantics<subcore_parallel>], iteration_bounds = array<i64: 1, 16>, scalar_prefetch = 0 : i64, scratch_operands = 19 : i64, tpu.core_type = #tpu.core_type<sc_vector_subcore>, window_params = [{transform_indices = #map}, {transform_indices = #map}, {transform_indices = #map}, {transform_indices = #map1}, {transform_indices = #map1}, {transform_indices = #map1}, {transform_indices = #map}]} {
    %iota3A = tpu.iota {dimensions = array<i32: 0>} : vector<16xi32>
    %mul3A = arith.constant 6400 : i32
    %mul3A_0 = arith.muli %arg1, %mul3A : i32
    "tpu.region"() ({
      %run_scoped3A = tpu.sem_alloc : memref<!tpu.dma_semaphore, #tpu.memory_space<semaphore_mem>>
      %dma_start3A = tpu.memref_slice %arg2[%mul3A_0] : memref<102400xf32, #tpu.memory_space<hbm>> -> memref<6400xf32, #tpu.memory_space<hbm>>
      %dma_start3A_49 = tpu.memref_slice %arg2[%mul3A_0] : memref<102400xf32, #tpu.memory_space<hbm>> -> memref<6400xf32, #tpu.memory_space<hbm>>
      tpu.enqueue_dma source(%dma_start3A_49 : memref<6400xf32, #tpu.memory_space<hbm>>) target(%arg9 : memref<6400xf32, #tpu.memory_space<vmem>>) target_semaphore(%run_scoped3A : memref<!tpu.dma_semaphore, #tpu.memory_space<semaphore_mem>>)
      %dma_wait3A = tpu.memref_slice %arg2[%mul3A_0] : memref<102400xf32, #tpu.memory_space<hbm>> -> memref<6400xf32, #tpu.memory_space<hbm>>
      %dma_wait3A_50 = tpu.memref_slice %arg2[%mul3A_0] : memref<102400xf32, #tpu.memory_space<hbm>> -> memref<6400xf32, #tpu.memory_space<hbm>>
      tpu.wait_dma2 semaphore(%run_scoped3A : memref<!tpu.dma_semaphore, #tpu.memory_space<semaphore_mem>>) src(%dma_wait3A_50 : memref<6400xf32, #tpu.memory_space<hbm>>) dst(%arg9 : memref<6400xf32, #tpu.memory_space<vmem>>)
      tpu.yield
    }) : () -> ()
    "tpu.region"() ({
      %run_scoped3A = tpu.sem_alloc : memref<!tpu.dma_semaphore, #tpu.memory_space<semaphore_mem>>
      %dma_start3A = tpu.memref_slice %arg3[%mul3A_0] : memref<102400xf32, #tpu.memory_space<hbm>> -> memref<6400xf32, #tpu.memory_space<hbm>>
      %dma_start3A_49 = tpu.memref_slice %arg3[%mul3A_0] : memref<102400xf32, #tpu.memory_space<hbm>> -> memref<6400xf32, #tpu.memory_space<hbm>>
      tpu.enqueue_dma source(%dma_start3A_49 : memref<6400xf32, #tpu.memory_space<hbm>>) target(%arg10 : memref<6400xf32, #tpu.memory_space<vmem>>) target_semaphore(%run_scoped3A : memref<!tpu.dma_semaphore, #tpu.memory_space<semaphore_mem>>)
      %dma_wait3A = tpu.memref_slice %arg3[%mul3A_0] : memref<102400xf32, #tpu.memory_space<hbm>> -> memref<6400xf32, #tpu.memory_space<hbm>>
      %dma_wait3A_50 = tpu.memref_slice %arg3[%mul3A_0] : memref<102400xf32, #tpu.memory_space<hbm>> -> memref<6400xf32, #tpu.memory_space<hbm>>
      tpu.wait_dma2 semaphore(%run_scoped3A : memref<!tpu.dma_semaphore, #tpu.memory_space<semaphore_mem>>) src(%dma_wait3A_50 : memref<6400xf32, #tpu.memory_space<hbm>>) dst(%arg10 : memref<6400xf32, #tpu.memory_space<vmem>>)
      tpu.yield
    }) : () -> ()
    "tpu.region"() ({
      %run_scoped3A = tpu.sem_alloc : memref<!tpu.dma_semaphore, #tpu.memory_space<semaphore_mem>>
      tpu.enqueue_dma source(%arg4 : memref<4096xi32, #tpu.memory_space<hbm>>) target(%arg11 : memref<4096xi32, #tpu.memory_space<vmem>>) target_semaphore(%run_scoped3A : memref<!tpu.dma_semaphore, #tpu.memory_space<semaphore_mem>>)
      tpu.wait_dma2 semaphore(%run_scoped3A : memref<!tpu.dma_semaphore, #tpu.memory_space<semaphore_mem>>) src(%arg4 : memref<4096xi32, #tpu.memory_space<hbm>>) dst(%arg11 : memref<4096xi32, #tpu.memory_space<vmem>>)
      tpu.yield
    }) : () -> ()
    %broadcast_in_dim3A = arith.constant 0.000000e+00 : f32
    %broadcast_in_dim3A_1 = vector.broadcast %broadcast_in_dim3A : f32 to vector<16xf32>
    %scan3A = arith.constant 0 : i32
    %scan3A_2 = arith.constant 0 : i32
    %scan3A_3 = arith.constant 64 : i32
    %scan3A_4 = arith.addi %scan3A_2, %scan3A_3 : i32
    %scan3A_5 = arith.constant 1 : i32
    scf.for %scan3A_49 = %scan3A_2 to %scan3A_4 step %scan3A_5  : i32 {
      %mul3A_50 = arith.constant 4 : i32
      %mul3A_51 = arith.muli %scan3A_49, %mul3A_50 : i32
      %add3A = arith.constant 0 : i32
      %add3A_52 = arith.addi %mul3A_51, %add3A : i32
      %mul3A_53 = arith.constant 16 : i32
      %mul3A_54 = arith.muli %add3A_52, %mul3A_53 : i32
      %add3A_55 = vector.broadcast %mul3A_54 : i32 to vector<16xi32>
      %add3A_56 = arith.addi %add3A_55, %iota3A : vector<16xi32>
      %gather3A = tpu.vector_load_idx %arg11[%add3A_56] : memref<4096xi32, #tpu.memory_space<vmem>>[vector<16xi32>], vector<16xi32>,
      %ge3A = vector.broadcast %mul3A_0 : i32 to vector<16xi32>
      %ge3A_57 = arith.cmpi sge, %gather3A, %ge3A : vector<16xi32>
      %add3A_58 = arith.constant 6400 : i32
      %add3A_59 = arith.addi %mul3A_0, %add3A_58 : i32
      %lt3A = vector.broadcast %add3A_59 : i32 to vector<16xi32>
      %lt3A_60 = arith.cmpi slt, %gather3A, %lt3A : vector<16xi32>
      %and3A = arith.andi %ge3A_57, %lt3A_60 : vector<16xi1>
      %sub3A = vector.broadcast %mul3A_0 : i32 to vector<16xi32>
      %sub3A_61 = arith.subi %gather3A, %sub3A : vector<16xi32>
      %jit3A = arith.constant 0 : i32
      %broadcast_in_dim3A_62 = vector.broadcast %jit3A : i32 to vector<16xi32>
      %select_n3A = arith.select %and3A, %sub3A_61, %broadcast_in_dim3A_62 : vector<16xi1>, vector<16xi32>
      tpu.vector_store_idx %arg9[%select_n3A], %broadcast_in_dim3A_1 masked %and3A : memref<6400xf32, #tpu.memory_space<vmem>>[vector<16xi32>], vector<16xf32>, vector<16xi1>
      %mul3A_63 = arith.constant 4 : i32
      %mul3A_64 = arith.muli %scan3A_49, %mul3A_63 : i32
      %add3A_65 = arith.constant 1 : i32
      %add3A_66 = arith.addi %mul3A_64, %add3A_65 : i32
      %mul3A_67 = arith.constant 16 : i32
      %mul3A_68 = arith.muli %add3A_66, %mul3A_67 : i32
      %add3A_69 = vector.broadcast %mul3A_68 : i32 to vector<16xi32>
      %add3A_70 = arith.addi %add3A_69, %iota3A : vector<16xi32>
      %gather3A_71 = tpu.vector_load_idx %arg11[%add3A_70] : memref<4096xi32, #tpu.memory_space<vmem>>[vector<16xi32>], vector<16xi32>,
      %ge3A_72 = vector.broadcast %mul3A_0 : i32 to vector<16xi32>
      %ge3A_73 = arith.cmpi sge, %gather3A_71, %ge3A_72 : vector<16xi32>
      %add3A_74 = arith.constant 6400 : i32
      %add3A_75 = arith.addi %mul3A_0, %add3A_74 : i32
      %lt3A_76 = vector.broadcast %add3A_75 : i32 to vector<16xi32>
      %lt3A_77 = arith.cmpi slt, %gather3A_71, %lt3A_76 : vector<16xi32>
      %and3A_78 = arith.andi %ge3A_73, %lt3A_77 : vector<16xi1>
      %sub3A_79 = vector.broadcast %mul3A_0 : i32 to vector<16xi32>
      %sub3A_80 = arith.subi %gather3A_71, %sub3A_79 : vector<16xi32>
      %jit3A_81 = arith.constant 0 : i32
      %broadcast_in_dim3A_82 = vector.broadcast %jit3A_81 : i32 to vector<16xi32>
      %select_n3A_83 = arith.select %and3A_78, %sub3A_80, %broadcast_in_dim3A_82 : vector<16xi1>, vector<16xi32>
      tpu.vector_store_idx %arg9[%select_n3A_83], %broadcast_in_dim3A_1 masked %and3A_78 : memref<6400xf32, #tpu.memory_space<vmem>>[vector<16xi32>], vector<16xf32>, vector<16xi1>
      %mul3A_84 = arith.constant 4 : i32
      %mul3A_85 = arith.muli %scan3A_49, %mul3A_84 : i32
      %add3A_86 = arith.constant 2 : i32
      %add3A_87 = arith.addi %mul3A_85, %add3A_86 : i32
      %mul3A_88 = arith.constant 16 : i32
      %mul3A_89 = arith.muli %add3A_87, %mul3A_88 : i32
      %add3A_90 = vector.broadcast %mul3A_89 : i32 to vector<16xi32>
      %add3A_91 = arith.addi %add3A_90, %iota3A : vector<16xi32>
      %gather3A_92 = tpu.vector_load_idx %arg11[%add3A_91] : memref<4096xi32, #tpu.memory_space<vmem>>[vector<16xi32>], vector<16xi32>,
      %ge3A_93 = vector.broadcast %mul3A_0 : i32 to vector<16xi32>
      %ge3A_94 = arith.cmpi sge, %gather3A_92, %ge3A_93 : vector<16xi32>
      %add3A_95 = arith.constant 6400 : i32
      %add3A_96 = arith.addi %mul3A_0, %add3A_95 : i32
      %lt3A_97 = vector.broadcast %add3A_96 : i32 to vector<16xi32>
      %lt3A_98 = arith.cmpi slt, %gather3A_92, %lt3A_97 : vector<16xi32>
      %and3A_99 = arith.andi %ge3A_94, %lt3A_98 : vector<16xi1>
      %sub3A_100 = vector.broadcast %mul3A_0 : i32 to vector<16xi32>
      %sub3A_101 = arith.subi %gather3A_92, %sub3A_100 : vector<16xi32>
      %jit3A_102 = arith.constant 0 : i32
      %broadcast_in_dim3A_103 = vector.broadcast %jit3A_102 : i32 to vector<16xi32>
      %select_n3A_104 = arith.select %and3A_99, %sub3A_101, %broadcast_in_dim3A_103 : vector<16xi1>, vector<16xi32>
      tpu.vector_store_idx %arg9[%select_n3A_104], %broadcast_in_dim3A_1 masked %and3A_99 : memref<6400xf32, #tpu.memory_space<vmem>>[vector<16xi32>], vector<16xf32>, vector<16xi1>
      %mul3A_105 = arith.constant 4 : i32
      %mul3A_106 = arith.muli %scan3A_49, %mul3A_105 : i32
      %add3A_107 = arith.constant 3 : i32
      %add3A_108 = arith.addi %mul3A_106, %add3A_107 : i32
      %mul3A_109 = arith.constant 16 : i32
      %mul3A_110 = arith.muli %add3A_108, %mul3A_109 : i32
      %add3A_111 = vector.broadcast %mul3A_110 : i32 to vector<16xi32>
      %add3A_112 = arith.addi %add3A_111, %iota3A : vector<16xi32>
      %gather3A_113 = tpu.vector_load_idx %arg11[%add3A_112] : memref<4096xi32, #tpu.memory_space<vmem>>[vector<16xi32>], vector<16xi32>,
      %ge3A_114 = vector.broadcast %mul3A_0 : i32 to vector<16xi32>
      %ge3A_115 = arith.cmpi sge, %gather3A_113, %ge3A_114 : vector<16xi32>
      %add3A_116 = arith.constant 6400 : i32
      %add3A_117 = arith.addi %mul3A_0, %add3A_116 : i32
      %lt3A_118 = vector.broadcast %add3A_117 : i32 to vector<16xi32>
      %lt3A_119 = arith.cmpi slt, %gather3A_113, %lt3A_118 : vector<16xi32>
      %and3A_120 = arith.andi %ge3A_115, %lt3A_119 : vector<16xi1>
      %sub3A_121 = vector.broadcast %mul3A_0 : i32 to vector<16xi32>
      %sub3A_122 = arith.subi %gather3A_113, %sub3A_121 : vector<16xi32>
      %jit3A_123 = arith.constant 0 : i32
      %broadcast_in_dim3A_124 = vector.broadcast %jit3A_123 : i32 to vector<16xi32>
      %select_n3A_125 = arith.select %and3A_120, %sub3A_122, %broadcast_in_dim3A_124 : vector<16xi1>, vector<16xi32>
      tpu.vector_store_idx %arg9[%select_n3A_125], %broadcast_in_dim3A_1 masked %and3A_120 : memref<6400xf32, #tpu.memory_space<vmem>>[vector<16xi32>], vector<16xf32>, vector<16xi1>
    }
    %scan3A_6 = arith.constant 64 : i32
    %broadcast_in_dim3A_7 = arith.constant -1.000000e+00 : f32
    %broadcast_in_dim3A_8 = vector.broadcast %broadcast_in_dim3A_7 : f32 to vector<16xf32>
    %broadcast_in_dim3A_9 = arith.constant 0 : i32
    %broadcast_in_dim3A_10 = vector.broadcast %broadcast_in_dim3A_9 : i32 to vector<16xi32>
    %swap3A = arith.constant 0 : index
    %swap3A_11 = tpu.vector_load %arg19[%swap3A] {strides = array<i32>} : memref<16xf32, #tpu.memory_space<vmem>>, vector<16xf32>,
    tpu.vector_store %arg19[%swap3A], %broadcast_in_dim3A_8 {strides = array<i32>} : memref<16xf32, #tpu.memory_space<vmem>>, vector<16xf32>,
    %swap3A_12 = arith.constant 0 : index
    %swap3A_13 = tpu.vector_load %arg20[%swap3A_12] {strides = array<i32>} : memref<16xi32, #tpu.memory_space<vmem>>, vector<16xi32>,
    tpu.vector_store %arg20[%swap3A_12], %broadcast_in_dim3A_10 {strides = array<i32>} : memref<16xi32, #tpu.memory_space<vmem>>, vector<16xi32>,
    %swap3A_14 = arith.constant 0 : index
    %swap3A_15 = tpu.vector_load %arg21[%swap3A_14] {strides = array<i32>} : memref<16xf32, #tpu.memory_space<vmem>>, vector<16xf32>,
    tpu.vector_store %arg21[%swap3A_14], %broadcast_in_dim3A_8 {strides = array<i32>} : memref<16xf32, #tpu.memory_space<vmem>>, vector<16xf32>,
    %swap3A_16 = arith.constant 0 : index
    %swap3A_17 = tpu.vector_load %arg22[%swap3A_16] {strides = array<i32>} : memref<16xi32, #tpu.memory_space<vmem>>, vector<16xi32>,
    tpu.vector_store %arg22[%swap3A_16], %broadcast_in_dim3A_10 {strides = array<i32>} : memref<16xi32, #tpu.memory_space<vmem>>, vector<16xi32>,
    %swap3A_18 = arith.constant -1.000000e+00 : f32
    %swap3A_19 = arith.constant 0 : i32
    %swap3A_20 = arith.index_cast %swap3A_19 : i32 to index
    %swap3A_21 = memref.load %arg23[%swap3A_20] : memref<1xf32, #tpu.memory_space<smem>>
    memref.store %swap3A_18, %arg23[%swap3A_20] : memref<1xf32, #tpu.memory_space<smem>>
    %scan3A_22 = arith.constant 0 : i32
    %scan3A_23 = arith.constant 0 : i32
    %scan3A_24 = arith.constant 100 : i32
    %scan3A_25 = arith.addi %scan3A_23, %scan3A_24 : i32
    %scan3A_26 = arith.constant 1 : i32
    scf.for %scan3A_49 = %scan3A_23 to %scan3A_25 step %scan3A_26  : i32 {
      %mul3A_50 = arith.constant 4 : i32
      %mul3A_51 = arith.muli %scan3A_49, %mul3A_50 : i32
      %add3A = arith.constant 0 : i32
      %add3A_52 = arith.addi %mul3A_51, %add3A : i32
      %mul3A_53 = arith.constant 16 : i32
      %mul3A_54 = arith.muli %add3A_52, %mul3A_53 : i32
      %add3A_55 = vector.broadcast %mul3A_54 : i32 to vector<16xi32>
      %add3A_56 = arith.addi %add3A_55, %iota3A : vector<16xi32>
      %gather3A = tpu.vector_load_idx %arg9[%add3A_56] : memref<6400xf32, #tpu.memory_space<vmem>>[vector<16xi32>], vector<16xf32>,
      %gather3A_57 = tpu.vector_load_idx %arg10[%add3A_56] : memref<6400xf32, #tpu.memory_space<vmem>>[vector<16xi32>], vector<16xf32>,
      %mul3A_58 = arith.mulf %gather3A, %gather3A_57 : vector<16xf32>
      %mul3A_59 = arith.constant 4 : i32
      %mul3A_60 = arith.muli %scan3A_49, %mul3A_59 : i32
      %add3A_61 = arith.constant 1 : i32
      %add3A_62 = arith.addi %mul3A_60, %add3A_61 : i32
      %mul3A_63 = arith.constant 16 : i32
      %mul3A_64 = arith.muli %add3A_62, %mul3A_63 : i32
      %add3A_65 = vector.broadcast %mul3A_64 : i32 to vector<16xi32>
      %add3A_66 = arith.addi %add3A_65, %iota3A : vector<16xi32>
      %gather3A_67 = tpu.vector_load_idx %arg9[%add3A_66] : memref<6400xf32, #tpu.memory_space<vmem>>[vector<16xi32>], vector<16xf32>,
      %gather3A_68 = tpu.vector_load_idx %arg10[%add3A_66] : memref<6400xf32, #tpu.memory_space<vmem>>[vector<16xi32>], vector<16xf32>,
      %mul3A_69 = arith.mulf %gather3A_67, %gather3A_68 : vector<16xf32>
      %mul3A_70 = arith.constant 4 : i32
      %mul3A_71 = arith.muli %scan3A_49, %mul3A_70 : i32
      %add3A_72 = arith.constant 2 : i32
      %add3A_73 = arith.addi %mul3A_71, %add3A_72 : i32
      %mul3A_74 = arith.constant 16 : i32
      %mul3A_75 = arith.muli %add3A_73, %mul3A_74 : i32
      %add3A_76 = vector.broadcast %mul3A_75 : i32 to vector<16xi32>
      %add3A_77 = arith.addi %add3A_76, %iota3A : vector<16xi32>
      %gather3A_78 = tpu.vector_load_idx %arg9[%add3A_77] : memref<6400xf32, #tpu.memory_space<vmem>>[vector<16xi32>], vector<16xf32>,
      %gather3A_79 = tpu.vector_load_idx %arg10[%add3A_77] : memref<6400xf32, #tpu.memory_space<vmem>>[vector<16xi32>], vector<16xf32>,
      %mul3A_80 = arith.mulf %gather3A_78, %gather3A_79 : vector<16xf32>
      %mul3A_81 = arith.constant 4 : i32
      %mul3A_82 = arith.muli %scan3A_49, %mul3A_81 : i32
      %add3A_83 = arith.constant 3 : i32
      %add3A_84 = arith.addi %mul3A_82, %add3A_83 : i32
      %mul3A_85 = arith.constant 16 : i32
      %mul3A_86 = arith.muli %add3A_84, %mul3A_85 : i32
      %add3A_87 = vector.broadcast %mul3A_86 : i32 to vector<16xi32>
      %add3A_88 = arith.addi %add3A_87, %iota3A : vector<16xi32>
      %gather3A_89 = tpu.vector_load_idx %arg9[%add3A_88] : memref<6400xf32, #tpu.memory_space<vmem>>[vector<16xi32>], vector<16xf32>,
      %gather3A_90 = tpu.vector_load_idx %arg10[%add3A_88] : memref<6400xf32, #tpu.memory_space<vmem>>[vector<16xi32>], vector<16xf32>,
      %mul3A_91 = arith.mulf %gather3A_89, %gather3A_90 : vector<16xf32>
      %max3A = arith.maximumf %mul3A_58, %mul3A_69 : vector<16xf32>
      %max3A_92 = arith.maximumf %mul3A_80, %mul3A_91 : vector<16xf32>
      %max3A_93 = arith.maximumf %max3A, %max3A_92 : vector<16xf32>
      %reduce_max3A = arith.constant true
      %reduce_max3A_94 = vector.broadcast %reduce_max3A : i1 to vector<16xi1>
      %reduce_max3A_95 = tpu.scan <max>, %max3A_93 masked %reduce_max3A_94 : vector<16xf32>, vector<16xi1> -> vector<16xf32>
      %reduce_max3A_96 = vector.extract %reduce_max3A_95[15] : f32 from vector<16xf32>
      %get3A_97 = arith.constant 0 : i32
      %get3A_98 = arith.index_cast %get3A_97 : i32 to index
      %get3A_99 = memref.load %arg23[%get3A_98] : memref<1xf32, #tpu.memory_space<smem>>
      %gt3A = arith.cmpf ogt, %reduce_max3A_96, %get3A_99 : f32
      %convert_element_type3A_100 = arith.extui %gt3A : i1 to i32
      %cond3A_101 = arith.constant 0 : i32
      %cond3A_102 = arith.cmpi ne, %convert_element_type3A_100, %cond3A_101 : i32
      scf.if %cond3A_102 {
        %add3A_103 = vector.broadcast %mul3A_0 : i32 to vector<16xi32>
        %add3A_104 = arith.addi %add3A_56, %add3A_103 : vector<16xi32>
        %masked_sort3A = arith.constant dense<true> : vector<16xi1>
        %masked_sort3A_105, %masked_sort3A_106, %masked_sort3A_107 = tpu.sort %mul3A_58, %add3A_104 masked %masked_sort3A : (vector<16xf32>, vector<16xi32>, vector<16xi1>) -> (vector<16xi1>, vector<16xf32>, vector<16xi32>)
        %get3A_108 = arith.constant 0 : index
        %get3A_109 = tpu.vector_load %arg19[%get3A_108] {strides = array<i32>} : memref<16xf32, #tpu.memory_space<vmem>>, vector<16xf32>,
        %get3A_110 = arith.constant 0 : index
        %get3A_111 = tpu.vector_load %arg20[%get3A_110] {strides = array<i32>} : memref<16xi32, #tpu.memory_space<vmem>>, vector<16xi32>,
        %rev3A = arith.constant 15 : i32
        %rev3A_112 = vector.broadcast %rev3A : i32 to vector<16xi32>
        %rev3A_113 = tpu.iota {dimensions = array<i32: 0>} : vector<16xi32>
        %rev3A_114 = arith.subi %rev3A_112, %rev3A_113 : vector<16xi32>
        %rev3A_115 = tpu.dynamic_gather %masked_sort3A_106[%rev3A_114] in [0] : vector<16xf32>, vector<16xi32> -> vector<16xf32>
        %rev3A_116 = arith.constant 15 : i32
        %rev3A_117 = vector.broadcast %rev3A_116 : i32 to vector<16xi32>
        %rev3A_118 = tpu.iota {dimensions = array<i32: 0>} : vector<16xi32>
        %rev3A_119 = arith.subi %rev3A_117, %rev3A_118 : vector<16xi32>
        %rev3A_120 = tpu.dynamic_gather %masked_sort3A_107[%rev3A_119] in [0] : vector<16xi32>, vector<16xi32> -> vector<16xi32>
        %ge3A = arith.cmpf oge, %get3A_109, %rev3A_115 : vector<16xf32>
        %select_n3A = arith.select %ge3A, %get3A_109, %rev3A_115 : vector<16xi1>, vector<16xf32>
        %select_n3A_121 = arith.select %ge3A, %get3A_111, %rev3A_120 : vector<16xi1>, vector<16xi32>
        %select_n3A_122 = arith.select %ge3A, %rev3A_115, %get3A_109 : vector<16xi1>, vector<16xf32>
        %select_n3A_123 = arith.select %ge3A, %rev3A_120, %get3A_111 : vector<16xi1>, vector<16xi32>
        %masked_sort3A_124 = arith.constant dense<true> : vector<16xi1>
        %masked_sort3A_125, %masked_sort3A_126, %masked_sort3A_127 = tpu.sort %select_n3A, %select_n3A_121 masked %masked_sort3A_124 : (vector<16xf32>, vector<16xi32>, vector<16xi1>) -> (vector<16xi1>, vector<16xf32>, vector<16xi32>)
        %masked_sort3A_128 = arith.constant dense<true> : vector<16xi1>
        %masked_sort3A_129, %masked_sort3A_130, %masked_sort3A_131 = tpu.sort %select_n3A_122, %select_n3A_123 masked %masked_sort3A_128 : (vector<16xf32>, vector<16xi32>, vector<16xi1>) -> (vector<16xi1>, vector<16xf32>, vector<16xi32>)
        %get3A_132 = arith.constant 0 : index
        %get3A_133 = tpu.vector_load %arg21[%get3A_132] {strides = array<i32>} : memref<16xf32, #tpu.memory_space<vmem>>, vector<16xf32>,
        %get3A_134 = arith.constant 0 : index
        %get3A_135 = tpu.vector_load %arg22[%get3A_134] {strides = array<i32>} : memref<16xi32, #tpu.memory_space<vmem>>, vector<16xi32>,
        %rev3A_136 = arith.constant 15 : i32
        %rev3A_137 = vector.broadcast %rev3A_136 : i32 to vector<16xi32>
        %rev3A_138 = tpu.iota {dimensions = array<i32: 0>} : vector<16xi32>
        %rev3A_139 = arith.subi %rev3A_137, %rev3A_138 : vector<16xi32>
        %rev3A_140 = tpu.dynamic_gather %masked_sort3A_130[%rev3A_139] in [0] : vector<16xf32>, vector<16xi32> -> vector<16xf32>
        %rev3A_141 = arith.constant 15 : i32
        %rev3A_142 = vector.broadcast %rev3A_141 : i32 to vector<16xi32>
        %rev3A_143 = tpu.iota {dimensions = array<i32: 0>} : vector<16xi32>
        %rev3A_144 = arith.subi %rev3A_142, %rev3A_143 : vector<16xi32>
        %rev3A_145 = tpu.dynamic_gather %masked_sort3A_131[%rev3A_144] in [0] : vector<16xi32>, vector<16xi32> -> vector<16xi32>
        %ge3A_146 = arith.cmpf oge, %get3A_133, %rev3A_140 : vector<16xf32>
        %select_n3A_147 = arith.select %ge3A_146, %get3A_133, %rev3A_140 : vector<16xi1>, vector<16xf32>
        %select_n3A_148 = arith.select %ge3A_146, %get3A_135, %rev3A_145 : vector<16xi1>, vector<16xi32>
        %select_n3A_149 = arith.select %ge3A_146, %rev3A_140, %get3A_133 : vector<16xi1>, vector<16xf32>
        %select_n3A_150 = arith.select %ge3A_146, %rev3A_145, %get3A_135 : vector<16xi1>, vector<16xi32>
        %masked_sort3A_151 = arith.constant dense<true> : vector<16xi1>
        %masked_sort3A_152, %masked_sort3A_153, %masked_sort3A_154 = tpu.sort %select_n3A_147, %select_n3A_148 masked %masked_sort3A_151 : (vector<16xf32>, vector<16xi32>, vector<16xi1>) -> (vector<16xi1>, vector<16xf32>, vector<16xi32>)
        %masked_sort3A_155 = arith.constant dense<true> : vector<16xi1>
        %masked_sort3A_156, %masked_sort3A_157, %masked_sort3A_158 = tpu.sort %select_n3A_149, %select_n3A_150 masked %masked_sort3A_155 : (vector<16xf32>, vector<16xi32>, vector<16xi1>) -> (vector<16xi1>, vector<16xf32>, vector<16xi32>)
        %swap3A_159 = arith.constant 0 : index
        %swap3A_160 = tpu.vector_load %arg19[%swap3A_159] {strides = array<i32>} : memref<16xf32, #tpu.memory_space<vmem>>, vector<16xf32>,
        tpu.vector_store %arg19[%swap3A_159], %masked_sort3A_126 {strides = array<i32>} : memref<16xf32, #tpu.memory_space<vmem>>, vector<16xf32>,
        %swap3A_161 = arith.constant 0 : index
        %swap3A_162 = tpu.vector_load %arg20[%swap3A_161] {strides = array<i32>} : memref<16xi32, #tpu.memory_space<vmem>>, vector<16xi32>,
        tpu.vector_store %arg20[%swap3A_161], %masked_sort3A_127 {strides = array<i32>} : memref<16xi32, #tpu.memory_space<vmem>>, vector<16xi32>,
        %swap3A_163 = arith.constant 0 : index
        %swap3A_164 = tpu.vector_load %arg21[%swap3A_163] {strides = array<i32>} : memref<16xf32, #tpu.memory_space<vmem>>, vector<16xf32>,
        tpu.vector_store %arg21[%swap3A_163], %masked_sort3A_153 {strides = array<i32>} : memref<16xf32, #tpu.memory_space<vmem>>, vector<16xf32>,
        %swap3A_165 = arith.constant 0 : index
        %swap3A_166 = tpu.vector_load %arg22[%swap3A_165] {strides = array<i32>} : memref<16xi32, #tpu.memory_space<vmem>>, vector<16xi32>,
        tpu.vector_store %arg22[%swap3A_165], %masked_sort3A_154 {strides = array<i32>} : memref<16xi32, #tpu.memory_space<vmem>>, vector<16xi32>,
        %add3A_167 = vector.broadcast %mul3A_0 : i32 to vector<16xi32>
        %add3A_168 = arith.addi %add3A_66, %add3A_167 : vector<16xi32>
        %masked_sort3A_169 = arith.constant dense<true> : vector<16xi1>
        %masked_sort3A_170, %masked_sort3A_171, %masked_sort3A_172 = tpu.sort %mul3A_69, %add3A_168 masked %masked_sort3A_169 : (vector<16xf32>, vector<16xi32>, vector<16xi1>) -> (vector<16xi1>, vector<16xf32>, vector<16xi32>)
        %get3A_173 = arith.constant 0 : index
        %get3A_174 = tpu.vector_load %arg19[%get3A_173] {strides = array<i32>} : memref<16xf32, #tpu.memory_space<vmem>>, vector<16xf32>,
        %get3A_175 = arith.constant 0 : index
        %get3A_176 = tpu.vector_load %arg20[%get3A_175] {strides = array<i32>} : memref<16xi32, #tpu.memory_space<vmem>>, vector<16xi32>,
        %rev3A_177 = arith.constant 15 : i32
        %rev3A_178 = vector.broadcast %rev3A_177 : i32 to vector<16xi32>
        %rev3A_179 = tpu.iota {dimensions = array<i32: 0>} : vector<16xi32>
        %rev3A_180 = arith.subi %rev3A_178, %rev3A_179 : vector<16xi32>
        %rev3A_181 = tpu.dynamic_gather %masked_sort3A_171[%rev3A_180] in [0] : vector<16xf32>, vector<16xi32> -> vector<16xf32>
        %rev3A_182 = arith.constant 15 : i32
        %rev3A_183 = vector.broadcast %rev3A_182 : i32 to vector<16xi32>
        %rev3A_184 = tpu.iota {dimensions = array<i32: 0>} : vector<16xi32>
        %rev3A_185 = arith.subi %rev3A_183, %rev3A_184 : vector<16xi32>
        %rev3A_186 = tpu.dynamic_gather %masked_sort3A_172[%rev3A_185] in [0] : vector<16xi32>, vector<16xi32> -> vector<16xi32>
        %ge3A_187 = arith.cmpf oge, %get3A_174, %rev3A_181 : vector<16xf32>
        %select_n3A_188 = arith.select %ge3A_187, %get3A_174, %rev3A_181 : vector<16xi1>, vector<16xf32>
        %select_n3A_189 = arith.select %ge3A_187, %get3A_176, %rev3A_186 : vector<16xi1>, vector<16xi32>
        %select_n3A_190 = arith.select %ge3A_187, %rev3A_181, %get3A_174 : vector<16xi1>, vector<16xf32>
        %select_n3A_191 = arith.select %ge3A_187, %rev3A_186, %get3A_176 : vector<16xi1>, vector<16xi32>
        %masked_sort3A_192 = arith.constant dense<true> : vector<16xi1>
        %masked_sort3A_193, %masked_sort3A_194, %masked_sort3A_195 = tpu.sort %select_n3A_188, %select_n3A_189 masked %masked_sort3A_192 : (vector<16xf32>, vector<16xi32>, vector<16xi1>) -> (vector<16xi1>, vector<16xf32>, vector<16xi32>)
        %masked_sort3A_196 = arith.constant dense<true> : vector<16xi1>
        %masked_sort3A_197, %masked_sort3A_198, %masked_sort3A_199 = tpu.sort %select_n3A_190, %select_n3A_191 masked %masked_sort3A_196 : (vector<16xf32>, vector<16xi32>, vector<16xi1>) -> (vector<16xi1>, vector<16xf32>, vector<16xi32>)
        %get3A_200 = arith.constant 0 : index
        %get3A_201 = tpu.vector_load %arg21[%get3A_200] {strides = array<i32>} : memref<16xf32, #tpu.memory_space<vmem>>, vector<16xf32>,
        %get3A_202 = arith.constant 0 : index
        %get3A_203 = tpu.vector_load %arg22[%get3A_202] {strides = array<i32>} : memref<16xi32, #tpu.memory_space<vmem>>, vector<16xi32>,
        %rev3A_204 = arith.constant 15 : i32
        %rev3A_205 = vector.broadcast %rev3A_204 : i32 to vector<16xi32>
        %rev3A_206 = tpu.iota {dimensions = array<i32: 0>} : vector<16xi32>
        %rev3A_207 = arith.subi %rev3A_205, %rev3A_206 : vector<16xi32>
        %rev3A_208 = tpu.dynamic_gather %masked_sort3A_198[%rev3A_207] in [0] : vector<16xf32>, vector<16xi32> -> vector<16xf32>
        %rev3A_209 = arith.constant 15 : i32
        %rev3A_210 = vector.broadcast %rev3A_209 : i32 to vector<16xi32>
        %rev3A_211 = tpu.iota {dimensions = array<i32: 0>} : vector<16xi32>
        %rev3A_212 = arith.subi %rev3A_210, %rev3A_211 : vector<16xi32>
        %rev3A_213 = tpu.dynamic_gather %masked_sort3A_199[%rev3A_212] in [0] : vector<16xi32>, vector<16xi32> -> vector<16xi32>
        %ge3A_214 = arith.cmpf oge, %get3A_201, %rev3A_208 : vector<16xf32>
        %select_n3A_215 = arith.select %ge3A_214, %get3A_201, %rev3A_208 : vector<16xi1>, vector<16xf32>
        %select_n3A_216 = arith.select %ge3A_214, %get3A_203, %rev3A_213 : vector<16xi1>, vector<16xi32>
        %select_n3A_217 = arith.select %ge3A_214, %rev3A_208, %get3A_201 : vector<16xi1>, vector<16xf32>
        %select_n3A_218 = arith.select %ge3A_214, %rev3A_213, %get3A_203 : vector<16xi1>, vector<16xi32>
        %masked_sort3A_219 = arith.constant dense<true> : vector<16xi1>
        %masked_sort3A_220, %masked_sort3A_221, %masked_sort3A_222 = tpu.sort %select_n3A_215, %select_n3A_216 masked %masked_sort3A_219 : (vector<16xf32>, vector<16xi32>, vector<16xi1>) -> (vector<16xi1>, vector<16xf32>, vector<16xi32>)
        %masked_sort3A_223 = arith.constant dense<true> : vector<16xi1>
        %masked_sort3A_224, %masked_sort3A_225, %masked_sort3A_226 = tpu.sort %select_n3A_217, %select_n3A_218 masked %masked_sort3A_223 : (vector<16xf32>, vector<16xi32>, vector<16xi1>) -> (vector<16xi1>, vector<16xf32>, vector<16xi32>)
        %swap3A_227 = arith.constant 0 : index
        %swap3A_228 = tpu.vector_load %arg19[%swap3A_227] {strides = array<i32>} : memref<16xf32, #tpu.memory_space<vmem>>, vector<16xf32>,
        tpu.vector_store %arg19[%swap3A_227], %masked_sort3A_194 {strides = array<i32>} : memref<16xf32, #tpu.memory_space<vmem>>, vector<16xf32>,
        %swap3A_229 = arith.constant 0 : index
        %swap3A_230 = tpu.vector_load %arg20[%swap3A_229] {strides = array<i32>} : memref<16xi32, #tpu.memory_space<vmem>>, vector<16xi32>,
        tpu.vector_store %arg20[%swap3A_229], %masked_sort3A_195 {strides = array<i32>} : memref<16xi32, #tpu.memory_space<vmem>>, vector<16xi32>,
        %swap3A_231 = arith.constant 0 : index
        %swap3A_232 = tpu.vector_load %arg21[%swap3A_231] {strides = array<i32>} : memref<16xf32, #tpu.memory_space<vmem>>, vector<16xf32>,
        tpu.vector_store %arg21[%swap3A_231], %masked_sort3A_221 {strides = array<i32>} : memref<16xf32, #tpu.memory_space<vmem>>, vector<16xf32>,
        %swap3A_233 = arith.constant 0 : index
        %swap3A_234 = tpu.vector_load %arg22[%swap3A_233] {strides = array<i32>} : memref<16xi32, #tpu.memory_space<vmem>>, vector<16xi32>,
        tpu.vector_store %arg22[%swap3A_233], %masked_sort3A_222 {strides = array<i32>} : memref<16xi32, #tpu.memory_space<vmem>>, vector<16xi32>,
        %add3A_235 = vector.broadcast %mul3A_0 : i32 to vector<16xi32>
        %add3A_236 = arith.addi %add3A_77, %add3A_235 : vector<16xi32>
        %masked_sort3A_237 = arith.constant dense<true> : vector<16xi1>
        %masked_sort3A_238, %masked_sort3A_239, %masked_sort3A_240 = tpu.sort %mul3A_80, %add3A_236 masked %masked_sort3A_237 : (vector<16xf32>, vector<16xi32>, vector<16xi1>) -> (vector<16xi1>, vector<16xf32>, vector<16xi32>)
        %get3A_241 = arith.constant 0 : index
        %get3A_242 = tpu.vector_load %arg19[%get3A_241] {strides = array<i32>} : memref<16xf32, #tpu.memory_space<vmem>>, vector<16xf32>,
        %get3A_243 = arith.constant 0 : index
        %get3A_244 = tpu.vector_load %arg20[%get3A_243] {strides = array<i32>} : memref<16xi32, #tpu.memory_space<vmem>>, vector<16xi32>,
        %rev3A_245 = arith.constant 15 : i32
        %rev3A_246 = vector.broadcast %rev3A_245 : i32 to vector<16xi32>
        %rev3A_247 = tpu.iota {dimensions = array<i32: 0>} : vector<16xi32>
        %rev3A_248 = arith.subi %rev3A_246, %rev3A_247 : vector<16xi32>
        %rev3A_249 = tpu.dynamic_gather %masked_sort3A_239[%rev3A_248] in [0] : vector<16xf32>, vector<16xi32> -> vector<16xf32>
        %rev3A_250 = arith.constant 15 : i32
        %rev3A_251 = vector.broadcast %rev3A_250 : i32 to vector<16xi32>
        %rev3A_252 = tpu.iota {dimensions = array<i32: 0>} : vector<16xi32>
        %rev3A_253 = arith.subi %rev3A_251, %rev3A_252 : vector<16xi32>
        %rev3A_254 = tpu.dynamic_gather %masked_sort3A_240[%rev3A_253] in [0] : vector<16xi32>, vector<16xi32> -> vector<16xi32>
        %ge3A_255 = arith.cmpf oge, %get3A_242, %rev3A_249 : vector<16xf32>
        %select_n3A_256 = arith.select %ge3A_255, %get3A_242, %rev3A_249 : vector<16xi1>, vector<16xf32>
        %select_n3A_257 = arith.select %ge3A_255, %get3A_244, %rev3A_254 : vector<16xi1>, vector<16xi32>
        %select_n3A_258 = arith.select %ge3A_255, %rev3A_249, %get3A_242 : vector<16xi1>, vector<16xf32>
        %select_n3A_259 = arith.select %ge3A_255, %rev3A_254, %get3A_244 : vector<16xi1>, vector<16xi32>
        %masked_sort3A_260 = arith.constant dense<true> : vector<16xi1>
        %masked_sort3A_261, %masked_sort3A_262, %masked_sort3A_263 = tpu.sort %select_n3A_256, %select_n3A_257 masked %masked_sort3A_260 : (vector<16xf32>, vector<16xi32>, vector<16xi1>) -> (vector<16xi1>, vector<16xf32>, vector<16xi32>)
        %masked_sort3A_264 = arith.constant dense<true> : vector<16xi1>
        %masked_sort3A_265, %masked_sort3A_266, %masked_sort3A_267 = tpu.sort %select_n3A_258, %select_n3A_259 masked %masked_sort3A_264 : (vector<16xf32>, vector<16xi32>, vector<16xi1>) -> (vector<16xi1>, vector<16xf32>, vector<16xi32>)
        %get3A_268 = arith.constant 0 : index
        %get3A_269 = tpu.vector_load %arg21[%get3A_268] {strides = array<i32>} : memref<16xf32, #tpu.memory_space<vmem>>, vector<16xf32>,
        %get3A_270 = arith.constant 0 : index
        %get3A_271 = tpu.vector_load %arg22[%get3A_270] {strides = array<i32>} : memref<16xi32, #tpu.memory_space<vmem>>, vector<16xi32>,
        %rev3A_272 = arith.constant 15 : i32
        %rev3A_273 = vector.broadcast %rev3A_272 : i32 to vector<16xi32>
        %rev3A_274 = tpu.iota {dimensions = array<i32: 0>} : vector<16xi32>
        %rev3A_275 = arith.subi %rev3A_273, %rev3A_274 : vector<16xi32>
        %rev3A_276 = tpu.dynamic_gather %masked_sort3A_266[%rev3A_275] in [0] : vector<16xf32>, vector<16xi32> -> vector<16xf32>
        %rev3A_277 = arith.constant 15 : i32
        %rev3A_278 = vector.broadcast %rev3A_277 : i32 to vector<16xi32>
        %rev3A_279 = tpu.iota {dimensions = array<i32: 0>} : vector<16xi32>
        %rev3A_280 = arith.subi %rev3A_278, %rev3A_279 : vector<16xi32>
        %rev3A_281 = tpu.dynamic_gather %masked_sort3A_267[%rev3A_280] in [0] : vector<16xi32>, vector<16xi32> -> vector<16xi32>
        %ge3A_282 = arith.cmpf oge, %get3A_269, %rev3A_276 : vector<16xf32>
        %select_n3A_283 = arith.select %ge3A_282, %get3A_269, %rev3A_276 : vector<16xi1>, vector<16xf32>
        %select_n3A_284 = arith.select %ge3A_282, %get3A_271, %rev3A_281 : vector<16xi1>, vector<16xi32>
        %select_n3A_285 = arith.select %ge3A_282, %rev3A_276, %get3A_269 : vector<16xi1>, vector<16xf32>
        %select_n3A_286 = arith.select %ge3A_282, %rev3A_281, %get3A_271 : vector<16xi1>, vector<16xi32>
        %masked_sort3A_287 = arith.constant dense<true> : vector<16xi1>
        %masked_sort3A_288, %masked_sort3A_289, %masked_sort3A_290 = tpu.sort %select_n3A_283, %select_n3A_284 masked %masked_sort3A_287 : (vector<16xf32>, vector<16xi32>, vector<16xi1>) -> (vector<16xi1>, vector<16xf32>, vector<16xi32>)
        %masked_sort3A_291 = arith.constant dense<true> : vector<16xi1>
        %masked_sort3A_292, %masked_sort3A_293, %masked_sort3A_294 = tpu.sort %select_n3A_285, %select_n3A_286 masked %masked_sort3A_291 : (vector<16xf32>, vector<16xi32>, vector<16xi1>) -> (vector<16xi1>, vector<16xf32>, vector<16xi32>)
        %swap3A_295 = arith.constant 0 : index
        %swap3A_296 = tpu.vector_load %arg19[%swap3A_295] {strides = array<i32>} : memref<16xf32, #tpu.memory_space<vmem>>, vector<16xf32>,
        tpu.vector_store %arg19[%swap3A_295], %masked_sort3A_262 {strides = array<i32>} : memref<16xf32, #tpu.memory_space<vmem>>, vector<16xf32>,
        %swap3A_297 = arith.constant 0 : index
        %swap3A_298 = tpu.vector_load %arg20[%swap3A_297] {strides = array<i32>} : memref<16xi32, #tpu.memory_space<vmem>>, vector<16xi32>,
        tpu.vector_store %arg20[%swap3A_297], %masked_sort3A_263 {strides = array<i32>} : memref<16xi32, #tpu.memory_space<vmem>>, vector<16xi32>,
        %swap3A_299 = arith.constant 0 : index
        %swap3A_300 = tpu.vector_load %arg21[%swap3A_299] {strides = array<i32>} : memref<16xf32, #tpu.memory_space<vmem>>, vector<16xf32>,
        tpu.vector_store %arg21[%swap3A_299], %masked_sort3A_289 {strides = array<i32>} : memref<16xf32, #tpu.memory_space<vmem>>, vector<16xf32>,
        %swap3A_301 = arith.constant 0 : index
        %swap3A_302 = tpu.vector_load %arg22[%swap3A_301] {strides = array<i32>} : memref<16xi32, #tpu.memory_space<vmem>>, vector<16xi32>,
        tpu.vector_store %arg22[%swap3A_301], %masked_sort3A_290 {strides = array<i32>} : memref<16xi32, #tpu.memory_space<vmem>>, vector<16xi32>,
        %add3A_303 = vector.broadcast %mul3A_0 : i32 to vector<16xi32>
        %add3A_304 = arith.addi %add3A_88, %add3A_303 : vector<16xi32>
        %masked_sort3A_305 = arith.constant dense<true> : vector<16xi1>
        %masked_sort3A_306, %masked_sort3A_307, %masked_sort3A_308 = tpu.sort %mul3A_91, %add3A_304 masked %masked_sort3A_305 : (vector<16xf32>, vector<16xi32>, vector<16xi1>) -> (vector<16xi1>, vector<16xf32>, vector<16xi32>)
        %get3A_309 = arith.constant 0 : index
        %get3A_310 = tpu.vector_load %arg19[%get3A_309] {strides = array<i32>} : memref<16xf32, #tpu.memory_space<vmem>>, vector<16xf32>,
        %get3A_311 = arith.constant 0 : index
        %get3A_312 = tpu.vector_load %arg20[%get3A_311] {strides = array<i32>} : memref<16xi32, #tpu.memory_space<vmem>>, vector<16xi32>,
        %rev3A_313 = arith.constant 15 : i32
        %rev3A_314 = vector.broadcast %rev3A_313 : i32 to vector<16xi32>
        %rev3A_315 = tpu.iota {dimensions = array<i32: 0>} : vector<16xi32>
        %rev3A_316 = arith.subi %rev3A_314, %rev3A_315 : vector<16xi32>
        %rev3A_317 = tpu.dynamic_gather %masked_sort3A_307[%rev3A_316] in [0] : vector<16xf32>, vector<16xi32> -> vector<16xf32>
        %rev3A_318 = arith.constant 15 : i32
        %rev3A_319 = vector.broadcast %rev3A_318 : i32 to vector<16xi32>
        %rev3A_320 = tpu.iota {dimensions = array<i32: 0>} : vector<16xi32>
        %rev3A_321 = arith.subi %rev3A_319, %rev3A_320 : vector<16xi32>
        %rev3A_322 = tpu.dynamic_gather %masked_sort3A_308[%rev3A_321] in [0] : vector<16xi32>, vector<16xi32> -> vector<16xi32>
        %ge3A_323 = arith.cmpf oge, %get3A_310, %rev3A_317 : vector<16xf32>
        %select_n3A_324 = arith.select %ge3A_323, %get3A_310, %rev3A_317 : vector<16xi1>, vector<16xf32>
        %select_n3A_325 = arith.select %ge3A_323, %get3A_312, %rev3A_322 : vector<16xi1>, vector<16xi32>
        %select_n3A_326 = arith.select %ge3A_323, %rev3A_317, %get3A_310 : vector<16xi1>, vector<16xf32>
        %select_n3A_327 = arith.select %ge3A_323, %rev3A_322, %get3A_312 : vector<16xi1>, vector<16xi32>
        %masked_sort3A_328 = arith.constant dense<true> : vector<16xi1>
        %masked_sort3A_329, %masked_sort3A_330, %masked_sort3A_331 = tpu.sort %select_n3A_324, %select_n3A_325 masked %masked_sort3A_328 : (vector<16xf32>, vector<16xi32>, vector<16xi1>) -> (vector<16xi1>, vector<16xf32>, vector<16xi32>)
        %masked_sort3A_332 = arith.constant dense<true> : vector<16xi1>
        %masked_sort3A_333, %masked_sort3A_334, %masked_sort3A_335 = tpu.sort %select_n3A_326, %select_n3A_327 masked %masked_sort3A_332 : (vector<16xf32>, vector<16xi32>, vector<16xi1>) -> (vector<16xi1>, vector<16xf32>, vector<16xi32>)
        %get3A_336 = arith.constant 0 : index
        %get3A_337 = tpu.vector_load %arg21[%get3A_336] {strides = array<i32>} : memref<16xf32, #tpu.memory_space<vmem>>, vector<16xf32>,
        %get3A_338 = arith.constant 0 : index
        %get3A_339 = tpu.vector_load %arg22[%get3A_338] {strides = array<i32>} : memref<16xi32, #tpu.memory_space<vmem>>, vector<16xi32>,
        %rev3A_340 = arith.constant 15 : i32
        %rev3A_341 = vector.broadcast %rev3A_340 : i32 to vector<16xi32>
        %rev3A_342 = tpu.iota {dimensions = array<i32: 0>} : vector<16xi32>
        %rev3A_343 = arith.subi %rev3A_341, %rev3A_342 : vector<16xi32>
        %rev3A_344 = tpu.dynamic_gather %masked_sort3A_334[%rev3A_343] in [0] : vector<16xf32>, vector<16xi32> -> vector<16xf32>
        %rev3A_345 = arith.constant 15 : i32
        %rev3A_346 = vector.broadcast %rev3A_345 : i32 to vector<16xi32>
        %rev3A_347 = tpu.iota {dimensions = array<i32: 0>} : vector<16xi32>
        %rev3A_348 = arith.subi %rev3A_346, %rev3A_347 : vector<16xi32>
        %rev3A_349 = tpu.dynamic_gather %masked_sort3A_335[%rev3A_348] in [0] : vector<16xi32>, vector<16xi32> -> vector<16xi32>
        %ge3A_350 = arith.cmpf oge, %get3A_337, %rev3A_344 : vector<16xf32>
        %select_n3A_351 = arith.select %ge3A_350, %get3A_337, %rev3A_344 : vector<16xi1>, vector<16xf32>
        %select_n3A_352 = arith.select %ge3A_350, %get3A_339, %rev3A_349 : vector<16xi1>, vector<16xi32>
        %select_n3A_353 = arith.select %ge3A_350, %rev3A_344, %get3A_337 : vector<16xi1>, vector<16xf32>
        %select_n3A_354 = arith.select %ge3A_350, %rev3A_349, %get3A_339 : vector<16xi1>, vector<16xi32>
        %masked_sort3A_355 = arith.constant dense<true> : vector<16xi1>
        %masked_sort3A_356, %masked_sort3A_357, %masked_sort3A_358 = tpu.sort %select_n3A_351, %select_n3A_352 masked %masked_sort3A_355 : (vector<16xf32>, vector<16xi32>, vector<16xi1>) -> (vector<16xi1>, vector<16xf32>, vector<16xi32>)
        %masked_sort3A_359 = arith.constant dense<true> : vector<16xi1>
        %masked_sort3A_360, %masked_sort3A_361, %masked_sort3A_362 = tpu.sort %select_n3A_353, %select_n3A_354 masked %masked_sort3A_359 : (vector<16xf32>, vector<16xi32>, vector<16xi1>) -> (vector<16xi1>, vector<16xf32>, vector<16xi32>)
        %swap3A_363 = arith.constant 0 : index
        %swap3A_364 = tpu.vector_load %arg19[%swap3A_363] {strides = array<i32>} : memref<16xf32, #tpu.memory_space<vmem>>, vector<16xf32>,
        tpu.vector_store %arg19[%swap3A_363], %masked_sort3A_330 {strides = array<i32>} : memref<16xf32, #tpu.memory_space<vmem>>, vector<16xf32>,
        %swap3A_365 = arith.constant 0 : index
        %swap3A_366 = tpu.vector_load %arg20[%swap3A_365] {strides = array<i32>} : memref<16xi32, #tpu.memory_space<vmem>>, vector<16xi32>,
        tpu.vector_store %arg20[%swap3A_365], %masked_sort3A_331 {strides = array<i32>} : memref<16xi32, #tpu.memory_space<vmem>>, vector<16xi32>,
        %swap3A_367 = arith.constant 0 : index
        %swap3A_368 = tpu.vector_load %arg21[%swap3A_367] {strides = array<i32>} : memref<16xf32, #tpu.memory_space<vmem>>, vector<16xf32>,
        tpu.vector_store %arg21[%swap3A_367], %masked_sort3A_357 {strides = array<i32>} : memref<16xf32, #tpu.memory_space<vmem>>, vector<16xf32>,
        %swap3A_369 = arith.constant 0 : index
        %swap3A_370 = tpu.vector_load %arg22[%swap3A_369] {strides = array<i32>} : memref<16xi32, #tpu.memory_space<vmem>>, vector<16xi32>,
        tpu.vector_store %arg22[%swap3A_369], %masked_sort3A_358 {strides = array<i32>} : memref<16xi32, #tpu.memory_space<vmem>>, vector<16xi32>,
        %get3A_371 = arith.constant 0 : index
        %get3A_372 = tpu.vector_load %arg21[%get3A_371] {strides = array<i32>} : memref<16xf32, #tpu.memory_space<vmem>>, vector<16xf32>,
        %reduce_min3A = arith.constant true
        %reduce_min3A_373 = vector.broadcast %reduce_min3A : i1 to vector<16xi1>
        %reduce_min3A_374 = tpu.scan <min>, %get3A_372 masked %reduce_min3A_373 : vector<16xf32>, vector<16xi1> -> vector<16xf32>
        %reduce_min3A_375 = vector.extract %reduce_min3A_374[15] : f32 from vector<16xf32>
        %swap3A_376 = arith.constant 0 : i32
        %swap3A_377 = arith.index_cast %swap3A_376 : i32 to index
        %swap3A_378 = memref.load %arg23[%swap3A_377] : memref<1xf32, #tpu.memory_space<smem>>
        memref.store %reduce_min3A_375, %arg23[%swap3A_377] : memref<1xf32, #tpu.memory_space<smem>>
      } else {
      }
    }
    %scan3A_27 = arith.constant 100 : i32
    %get3A = arith.constant 0 : index
    %get3A_28 = tpu.vector_load %arg19[%get3A] {strides = array<i32>} : memref<16xf32, #tpu.memory_space<vmem>>, vector<16xf32>,
    %swap3A_29 = arith.constant 0 : index
    %swap3A_30 = tpu.vector_load %arg17[%swap3A_29] {strides = array<i32>} : memref<32xf32, #tpu.memory_space<vmem>>, vector<16xf32>,
    tpu.vector_store %arg17[%swap3A_29], %get3A_28 {strides = array<i32>} : memref<32xf32, #tpu.memory_space<vmem>>, vector<16xf32>,
    %get3A_31 = arith.constant 0 : index
    %get3A_32 = tpu.vector_load %arg21[%get3A_31] {strides = array<i32>} : memref<16xf32, #tpu.memory_space<vmem>>, vector<16xf32>,
    %swap3A_33 = arith.constant 16 : index
    %swap3A_34 = tpu.vector_load %arg17[%swap3A_33] {strides = array<i32>} : memref<32xf32, #tpu.memory_space<vmem>>, vector<16xf32>,
    tpu.vector_store %arg17[%swap3A_33], %get3A_32 {strides = array<i32>} : memref<32xf32, #tpu.memory_space<vmem>>, vector<16xf32>,
    %get3A_35 = arith.constant 0 : index
    %get3A_36 = tpu.vector_load %arg20[%get3A_35] {strides = array<i32>} : memref<16xi32, #tpu.memory_space<vmem>>, vector<16xi32>,
    %swap3A_37 = arith.constant 0 : index
    %swap3A_38 = tpu.vector_load %arg18[%swap3A_37] {strides = array<i32>} : memref<32xi32, #tpu.memory_space<vmem>>, vector<16xi32>,
    tpu.vector_store %arg18[%swap3A_37], %get3A_36 {strides = array<i32>} : memref<32xi32, #tpu.memory_space<vmem>>, vector<16xi32>,
    %get3A_39 = arith.constant 0 : index
    %get3A_40 = tpu.vector_load %arg22[%get3A_39] {strides = array<i32>} : memref<16xi32, #tpu.memory_space<vmem>>, vector<16xi32>,
    %swap3A_41 = arith.constant 16 : index
    %swap3A_42 = tpu.vector_load %arg18[%swap3A_41] {strides = array<i32>} : memref<32xi32, #tpu.memory_space<vmem>>, vector<16xi32>,
    tpu.vector_store %arg18[%swap3A_41], %get3A_40 {strides = array<i32>} : memref<32xi32, #tpu.memory_space<vmem>>, vector<16xi32>,
    %mul3A_43 = arith.constant 32 : i32
    %mul3A_44 = arith.muli %arg1, %mul3A_43 : i32
    "tpu.region"() ({
      %run_scoped3A = tpu.sem_alloc : memref<!tpu.dma_semaphore, #tpu.memory_space<semaphore_mem>>
      %dma_start3A = tpu.memref_slice %arg24[%mul3A_44] : memref<512xf32, #tpu.memory_space<vmem_shared>> -> memref<32xf32, #tpu.memory_space<vmem_shared>>
      %dma_start3A_49 = tpu.memref_slice %arg24[%mul3A_44] : memref<512xf32, #tpu.memory_space<vmem_shared>> -> memref<32xf32, #tpu.memory_space<vmem_shared>>
      tpu.enqueue_dma source(%arg17 : memref<32xf32, #tpu.memory_space<vmem>>) target(%dma_start3A_49 : memref<32xf32, #tpu.memory_space<vmem_shared>>) target_semaphore(%run_scoped3A : memref<!tpu.dma_semaphore, #tpu.memory_space<semaphore_mem>>)
      %dma_wait3A = tpu.memref_slice %arg24[%mul3A_44] : memref<512xf32, #tpu.memory_space<vmem_shared>> -> memref<32xf32, #tpu.memory_space<vmem_shared>>
      %dma_wait3A_50 = tpu.memref_slice %arg24[%mul3A_44] : memref<512xf32, #tpu.memory_space<vmem_shared>> -> memref<32xf32, #tpu.memory_space<vmem_shared>>
      tpu.wait_dma2 semaphore(%run_scoped3A : memref<!tpu.dma_semaphore, #tpu.memory_space<semaphore_mem>>) src(%arg17 : memref<32xf32, #tpu.memory_space<vmem>>) dst(%dma_wait3A_50 : memref<32xf32, #tpu.memory_space<vmem_shared>>)
      tpu.yield
    }) : () -> ()
    %mul3A_45 = arith.constant 32 : i32
    %mul3A_46 = arith.muli %arg1, %mul3A_45 : i32
    "tpu.region"() ({
      %run_scoped3A = tpu.sem_alloc : memref<!tpu.dma_semaphore, #tpu.memory_space<semaphore_mem>>
      %dma_start3A = tpu.memref_slice %arg25[%mul3A_46] : memref<512xi32, #tpu.memory_space<vmem_shared>> -> memref<32xi32, #tpu.memory_space<vmem_shared>>
      %dma_start3A_49 = tpu.memref_slice %arg25[%mul3A_46] : memref<512xi32, #tpu.memory_space<vmem_shared>> -> memref<32xi32, #tpu.memory_space<vmem_shared>>
      tpu.enqueue_dma source(%arg18 : memref<32xi32, #tpu.memory_space<vmem>>) target(%dma_start3A_49 : memref<32xi32, #tpu.memory_space<vmem_shared>>) target_semaphore(%run_scoped3A : memref<!tpu.dma_semaphore, #tpu.memory_space<semaphore_mem>>)
      %dma_wait3A = tpu.memref_slice %arg25[%mul3A_46] : memref<512xi32, #tpu.memory_space<vmem_shared>> -> memref<32xi32, #tpu.memory_space<vmem_shared>>
      %dma_wait3A_50 = tpu.memref_slice %arg25[%mul3A_46] : memref<512xi32, #tpu.memory_space<vmem_shared>> -> memref<32xi32, #tpu.memory_space<vmem_shared>>
      tpu.wait_dma2 semaphore(%run_scoped3A : memref<!tpu.dma_semaphore, #tpu.memory_space<semaphore_mem>>) src(%arg18 : memref<32xi32, #tpu.memory_space<vmem>>) dst(%dma_wait3A_50 : memref<32xi32, #tpu.memory_space<vmem_shared>>)
      tpu.yield
    }) : () -> ()
    %barrier3A = arith.constant 0 : index
    tpu.barrier barrier_id(%barrier3A)
    %eq3A = arith.constant 0 : i32
    %eq3A_47 = arith.cmpi eq, %arg1, %eq3A : i32
    %convert_element_type3A = arith.extui %eq3A_47 : i1 to i32
    %cond3A = arith.constant 0 : i32
    %cond3A_48 = arith.cmpi ne, %convert_element_type3A, %cond3A : i32
    scf.if %cond3A_48 {
      "tpu.region"() ({
        %run_scoped3A = tpu.sem_alloc : memref<!tpu.dma_semaphore, #tpu.memory_space<semaphore_mem>>
        %dma_start3A_216 = arith.constant 0 : i32
        %dma_start3A_217 = tpu.memref_slice %arg9[%dma_start3A_216] : memref<6400xf32, #tpu.memory_space<vmem>> -> memref<512xf32, #tpu.memory_space<vmem>>
        %dma_start3A_218 = arith.constant 0 : i32
        %dma_start3A_219 = tpu.memref_slice %arg9[%dma_start3A_218] : memref<6400xf32, #tpu.memory_space<vmem>> -> memref<512xf32, #tpu.memory_space<vmem>>
        tpu.enqueue_dma source(%arg24 : memref<512xf32, #tpu.memory_space<vmem_shared>>) target(%dma_start3A_219 : memref<512xf32, #tpu.memory_space<vmem>>) target_semaphore(%run_scoped3A : memref<!tpu.dma_semaphore, #tpu.memory_space<semaphore_mem>>)
        %dma_wait3A_220 = arith.constant 0 : i32
        %dma_wait3A_221 = tpu.memref_slice %arg9[%dma_wait3A_220] : memref<6400xf32, #tpu.memory_space<vmem>> -> memref<512xf32, #tpu.memory_space<vmem>>
        %dma_wait3A_222 = arith.constant 0 : i32
        %dma_wait3A_223 = tpu.memref_slice %arg9[%dma_wait3A_222] : memref<6400xf32, #tpu.memory_space<vmem>> -> memref<512xf32, #tpu.memory_space<vmem>>
        tpu.wait_dma2 semaphore(%run_scoped3A : memref<!tpu.dma_semaphore, #tpu.memory_space<semaphore_mem>>) src(%arg24 : memref<512xf32, #tpu.memory_space<vmem_shared>>) dst(%dma_wait3A_223 : memref<512xf32, #tpu.memory_space<vmem>>)
        tpu.yield
      }) : () -> ()
      "tpu.region"() ({
        %run_scoped3A = tpu.sem_alloc : memref<!tpu.dma_semaphore, #tpu.memory_space<semaphore_mem>>
        %dma_start3A_216 = arith.constant 0 : i32
        %dma_start3A_217 = tpu.memref_slice %arg11[%dma_start3A_216] : memref<4096xi32, #tpu.memory_space<vmem>> -> memref<512xi32, #tpu.memory_space<vmem>>
        %dma_start3A_218 = arith.constant 0 : i32
        %dma_start3A_219 = tpu.memref_slice %arg11[%dma_start3A_218] : memref<4096xi32, #tpu.memory_space<vmem>> -> memref<512xi32, #tpu.memory_space<vmem>>
        tpu.enqueue_dma source(%arg25 : memref<512xi32, #tpu.memory_space<vmem_shared>>) target(%dma_start3A_219 : memref<512xi32, #tpu.memory_space<vmem>>) target_semaphore(%run_scoped3A : memref<!tpu.dma_semaphore, #tpu.memory_space<semaphore_mem>>)
        %dma_wait3A_220 = arith.constant 0 : i32
        %dma_wait3A_221 = tpu.memref_slice %arg11[%dma_wait3A_220] : memref<4096xi32, #tpu.memory_space<vmem>> -> memref<512xi32, #tpu.memory_space<vmem>>
        %dma_wait3A_222 = arith.constant 0 : i32
        %dma_wait3A_223 = tpu.memref_slice %arg11[%dma_wait3A_222] : memref<4096xi32, #tpu.memory_space<vmem>> -> memref<512xi32, #tpu.memory_space<vmem>>
        tpu.wait_dma2 semaphore(%run_scoped3A : memref<!tpu.dma_semaphore, #tpu.memory_space<semaphore_mem>>) src(%arg25 : memref<512xi32, #tpu.memory_space<vmem_shared>>) dst(%dma_wait3A_223 : memref<512xi32, #tpu.memory_space<vmem>>)
        tpu.yield
      }) : () -> ()
      %swap3A_49 = arith.constant 0 : index
      %swap3A_50 = tpu.vector_load %arg19[%swap3A_49] {strides = array<i32>} : memref<16xf32, #tpu.memory_space<vmem>>, vector<16xf32>,
      tpu.vector_store %arg19[%swap3A_49], %broadcast_in_dim3A_8 {strides = array<i32>} : memref<16xf32, #tpu.memory_space<vmem>>, vector<16xf32>,
      %swap3A_51 = arith.constant 0 : index
      %swap3A_52 = tpu.vector_load %arg20[%swap3A_51] {strides = array<i32>} : memref<16xi32, #tpu.memory_space<vmem>>, vector<16xi32>,
      tpu.vector_store %arg20[%swap3A_51], %broadcast_in_dim3A_10 {strides = array<i32>} : memref<16xi32, #tpu.memory_space<vmem>>, vector<16xi32>,
      %swap3A_53 = arith.constant 0 : index
      %swap3A_54 = tpu.vector_load %arg21[%swap3A_53] {strides = array<i32>} : memref<16xf32, #tpu.memory_space<vmem>>, vector<16xf32>,
      tpu.vector_store %arg21[%swap3A_53], %broadcast_in_dim3A_8 {strides = array<i32>} : memref<16xf32, #tpu.memory_space<vmem>>, vector<16xf32>,
      %swap3A_55 = arith.constant 0 : index
      %swap3A_56 = tpu.vector_load %arg22[%swap3A_55] {strides = array<i32>} : memref<16xi32, #tpu.memory_space<vmem>>, vector<16xi32>,
      tpu.vector_store %arg22[%swap3A_55], %broadcast_in_dim3A_10 {strides = array<i32>} : memref<16xi32, #tpu.memory_space<vmem>>, vector<16xi32>,
      %scan3A_57 = arith.constant 0 : i32
      %scan3A_58 = arith.constant 0 : i32
      %scan3A_59 = arith.constant 32 : i32
      %scan3A_60 = arith.addi %scan3A_58, %scan3A_59 : i32
      %scan3A_61 = arith.constant 1 : i32
      scf.for %scan3A_216 = %scan3A_58 to %scan3A_60 step %scan3A_61  : i32 {
        %mul3A_217 = arith.constant 16 : i32
        %mul3A_218 = arith.muli %scan3A_216, %mul3A_217 : i32
        %add3A_219 = vector.broadcast %mul3A_218 : i32 to vector<16xi32>
        %add3A_220 = arith.addi %add3A_219, %iota3A : vector<16xi32>
        %gather3A_221 = tpu.vector_load_idx %arg9[%add3A_220] : memref<6400xf32, #tpu.memory_space<vmem>>[vector<16xi32>], vector<16xf32>,
        %gather3A_222 = tpu.vector_load_idx %arg11[%add3A_220] : memref<4096xi32, #tpu.memory_space<vmem>>[vector<16xi32>], vector<16xi32>,
        %masked_sort3A = arith.constant dense<true> : vector<16xi1>
        %masked_sort3A_223, %masked_sort3A_224, %masked_sort3A_225 = tpu.sort %gather3A_221, %gather3A_222 masked %masked_sort3A : (vector<16xf32>, vector<16xi32>, vector<16xi1>) -> (vector<16xi1>, vector<16xf32>, vector<16xi32>)
        %get3A_226 = arith.constant 0 : index
        %get3A_227 = tpu.vector_load %arg19[%get3A_226] {strides = array<i32>} : memref<16xf32, #tpu.memory_space<vmem>>, vector<16xf32>,
        %get3A_228 = arith.constant 0 : index
        %get3A_229 = tpu.vector_load %arg20[%get3A_228] {strides = array<i32>} : memref<16xi32, #tpu.memory_space<vmem>>, vector<16xi32>,
        %rev3A = arith.constant 15 : i32
        %rev3A_230 = vector.broadcast %rev3A : i32 to vector<16xi32>
        %rev3A_231 = tpu.iota {dimensions = array<i32: 0>} : vector<16xi32>
        %rev3A_232 = arith.subi %rev3A_230, %rev3A_231 : vector<16xi32>
        %rev3A_233 = tpu.dynamic_gather %masked_sort3A_224[%rev3A_232] in [0] : vector<16xf32>, vector<16xi32> -> vector<16xf32>
        %rev3A_234 = arith.constant 15 : i32
        %rev3A_235 = vector.broadcast %rev3A_234 : i32 to vector<16xi32>
        %rev3A_236 = tpu.iota {dimensions = array<i32: 0>} : vector<16xi32>
        %rev3A_237 = arith.subi %rev3A_235, %rev3A_236 : vector<16xi32>
        %rev3A_238 = tpu.dynamic_gather %masked_sort3A_225[%rev3A_237] in [0] : vector<16xi32>, vector<16xi32> -> vector<16xi32>
        %ge3A_239 = arith.cmpf oge, %get3A_227, %rev3A_233 : vector<16xf32>
        %select_n3A = arith.select %ge3A_239, %get3A_227, %rev3A_233 : vector<16xi1>, vector<16xf32>
        %select_n3A_240 = arith.select %ge3A_239, %get3A_229, %rev3A_238 : vector<16xi1>, vector<16xi32>
        %select_n3A_241 = arith.select %ge3A_239, %rev3A_233, %get3A_227 : vector<16xi1>, vector<16xf32>
        %select_n3A_242 = arith.select %ge3A_239, %rev3A_238, %get3A_229 : vector<16xi1>, vector<16xi32>
        %masked_sort3A_243 = arith.constant dense<true> : vector<16xi1>
        %masked_sort3A_244, %masked_sort3A_245, %masked_sort3A_246 = tpu.sort %select_n3A, %select_n3A_240 masked %masked_sort3A_243 : (vector<16xf32>, vector<16xi32>, vector<16xi1>) -> (vector<16xi1>, vector<16xf32>, vector<16xi32>)
        %masked_sort3A_247 = arith.constant dense<true> : vector<16xi1>
        %masked_sort3A_248, %masked_sort3A_249, %masked_sort3A_250 = tpu.sort %select_n3A_241, %select_n3A_242 masked %masked_sort3A_247 : (vector<16xf32>, vector<16xi32>, vector<16xi1>) -> (vector<16xi1>, vector<16xf32>, vector<16xi32>)
        %get3A_251 = arith.constant 0 : index
        %get3A_252 = tpu.vector_load %arg21[%get3A_251] {strides = array<i32>} : memref<16xf32, #tpu.memory_space<vmem>>, vector<16xf32>,
        %get3A_253 = arith.constant 0 : index
        %get3A_254 = tpu.vector_load %arg22[%get3A_253] {strides = array<i32>} : memref<16xi32, #tpu.memory_space<vmem>>, vector<16xi32>,
        %rev3A_255 = arith.constant 15 : i32
        %rev3A_256 = vector.broadcast %rev3A_255 : i32 to vector<16xi32>
        %rev3A_257 = tpu.iota {dimensions = array<i32: 0>} : vector<16xi32>
        %rev3A_258 = arith.subi %rev3A_256, %rev3A_257 : vector<16xi32>
        %rev3A_259 = tpu.dynamic_gather %masked_sort3A_249[%rev3A_258] in [0] : vector<16xf32>, vector<16xi32> -> vector<16xf32>
        %rev3A_260 = arith.constant 15 : i32
        %rev3A_261 = vector.broadcast %rev3A_260 : i32 to vector<16xi32>
        %rev3A_262 = tpu.iota {dimensions = array<i32: 0>} : vector<16xi32>
        %rev3A_263 = arith.subi %rev3A_261, %rev3A_262 : vector<16xi32>
        %rev3A_264 = tpu.dynamic_gather %masked_sort3A_250[%rev3A_263] in [0] : vector<16xi32>, vector<16xi32> -> vector<16xi32>
        %ge3A_265 = arith.cmpf oge, %get3A_252, %rev3A_259 : vector<16xf32>
        %select_n3A_266 = arith.select %ge3A_265, %get3A_252, %rev3A_259 : vector<16xi1>, vector<16xf32>
        %select_n3A_267 = arith.select %ge3A_265, %get3A_254, %rev3A_264 : vector<16xi1>, vector<16xi32>
        %select_n3A_268 = arith.select %ge3A_265, %rev3A_259, %get3A_252 : vector<16xi1>, vector<16xf32>
        %select_n3A_269 = arith.select %ge3A_265, %rev3A_264, %get3A_254 : vector<16xi1>, vector<16xi32>
        %masked_sort3A_270 = arith.constant dense<true> : vector<16xi1>
        %masked_sort3A_271, %masked_sort3A_272, %masked_sort3A_273 = tpu.sort %select_n3A_266, %select_n3A_267 masked %masked_sort3A_270 : (vector<16xf32>, vector<16xi32>, vector<16xi1>) -> (vector<16xi1>, vector<16xf32>, vector<16xi32>)
        %masked_sort3A_274 = arith.constant dense<true> : vector<16xi1>
        %masked_sort3A_275, %masked_sort3A_276, %masked_sort3A_277 = tpu.sort %select_n3A_268, %select_n3A_269 masked %masked_sort3A_274 : (vector<16xf32>, vector<16xi32>, vector<16xi1>) -> (vector<16xi1>, vector<16xf32>, vector<16xi32>)
        %swap3A_278 = arith.constant 0 : index
        %swap3A_279 = tpu.vector_load %arg19[%swap3A_278] {strides = array<i32>} : memref<16xf32, #tpu.memory_space<vmem>>, vector<16xf32>,
        tpu.vector_store %arg19[%swap3A_278], %masked_sort3A_245 {strides = array<i32>} : memref<16xf32, #tpu.memory_space<vmem>>, vector<16xf32>,
        %swap3A_280 = arith.constant 0 : index
        %swap3A_281 = tpu.vector_load %arg20[%swap3A_280] {strides = array<i32>} : memref<16xi32, #tpu.memory_space<vmem>>, vector<16xi32>,
        tpu.vector_store %arg20[%swap3A_280], %masked_sort3A_246 {strides = array<i32>} : memref<16xi32, #tpu.memory_space<vmem>>, vector<16xi32>,
        %swap3A_282 = arith.constant 0 : index
        %swap3A_283 = tpu.vector_load %arg21[%swap3A_282] {strides = array<i32>} : memref<16xf32, #tpu.memory_space<vmem>>, vector<16xf32>,
        tpu.vector_store %arg21[%swap3A_282], %masked_sort3A_272 {strides = array<i32>} : memref<16xf32, #tpu.memory_space<vmem>>, vector<16xf32>,
        %swap3A_284 = arith.constant 0 : index
        %swap3A_285 = tpu.vector_load %arg22[%swap3A_284] {strides = array<i32>} : memref<16xi32, #tpu.memory_space<vmem>>, vector<16xi32>,
        tpu.vector_store %arg22[%swap3A_284], %masked_sort3A_273 {strides = array<i32>} : memref<16xi32, #tpu.memory_space<vmem>>, vector<16xi32>,
      }
      %scan3A_62 = arith.constant 32 : i32
      %swap3A_63 = arith.constant 0 : index
      %swap3A_64 = tpu.vector_load %arg15[%swap3A_63] {strides = array<i32>} : memref<128xi32, #tpu.memory_space<vmem>>, vector<16xi32>,
      tpu.vector_store %arg15[%swap3A_63], %broadcast_in_dim3A_10 {strides = array<i32>} : memref<128xi32, #tpu.memory_space<vmem>>, vector<16xi32>,
      %swap3A_65 = arith.constant 16 : index
      %swap3A_66 = tpu.vector_load %arg15[%swap3A_65] {strides = array<i32>} : memref<128xi32, #tpu.memory_space<vmem>>, vector<16xi32>,
      tpu.vector_store %arg15[%swap3A_65], %broadcast_in_dim3A_10 {strides = array<i32>} : memref<128xi32, #tpu.memory_space<vmem>>, vector<16xi32>,
      %swap3A_67 = arith.constant 32 : index
      %swap3A_68 = tpu.vector_load %arg15[%swap3A_67] {strides = array<i32>} : memref<128xi32, #tpu.memory_space<vmem>>, vector<16xi32>,
      tpu.vector_store %arg15[%swap3A_67], %broadcast_in_dim3A_10 {strides = array<i32>} : memref<128xi32, #tpu.memory_space<vmem>>, vector<16xi32>,
      %swap3A_69 = arith.constant 48 : index
      %swap3A_70 = tpu.vector_load %arg15[%swap3A_69] {strides = array<i32>} : memref<128xi32, #tpu.memory_space<vmem>>, vector<16xi32>,
      tpu.vector_store %arg15[%swap3A_69], %broadcast_in_dim3A_10 {strides = array<i32>} : memref<128xi32, #tpu.memory_space<vmem>>, vector<16xi32>,
      %swap3A_71 = arith.constant 64 : index
      %swap3A_72 = tpu.vector_load %arg15[%swap3A_71] {strides = array<i32>} : memref<128xi32, #tpu.memory_space<vmem>>, vector<16xi32>,
      tpu.vector_store %arg15[%swap3A_71], %broadcast_in_dim3A_10 {strides = array<i32>} : memref<128xi32, #tpu.memory_space<vmem>>, vector<16xi32>,
      %swap3A_73 = arith.constant 80 : index
      %swap3A_74 = tpu.vector_load %arg15[%swap3A_73] {strides = array<i32>} : memref<128xi32, #tpu.memory_space<vmem>>, vector<16xi32>,
      tpu.vector_store %arg15[%swap3A_73], %broadcast_in_dim3A_10 {strides = array<i32>} : memref<128xi32, #tpu.memory_space<vmem>>, vector<16xi32>,
      %swap3A_75 = arith.constant 96 : index
      %swap3A_76 = tpu.vector_load %arg15[%swap3A_75] {strides = array<i32>} : memref<128xi32, #tpu.memory_space<vmem>>, vector<16xi32>,
      tpu.vector_store %arg15[%swap3A_75], %broadcast_in_dim3A_10 {strides = array<i32>} : memref<128xi32, #tpu.memory_space<vmem>>, vector<16xi32>,
      %swap3A_77 = arith.constant 112 : index
      %swap3A_78 = tpu.vector_load %arg15[%swap3A_77] {strides = array<i32>} : memref<128xi32, #tpu.memory_space<vmem>>, vector<16xi32>,
      tpu.vector_store %arg15[%swap3A_77], %broadcast_in_dim3A_10 {strides = array<i32>} : memref<128xi32, #tpu.memory_space<vmem>>, vector<16xi32>,
      %get3A_79 = arith.constant 0 : index
      %get3A_80 = tpu.vector_load %arg20[%get3A_79] {strides = array<i32>} : memref<16xi32, #tpu.memory_space<vmem>>, vector<16xi32>,
      %swap3A_81 = arith.constant 0 : index
      %swap3A_82 = tpu.vector_load %arg15[%swap3A_81] {strides = array<i32>} : memref<128xi32, #tpu.memory_space<vmem>>, vector<16xi32>,
      tpu.vector_store %arg15[%swap3A_81], %get3A_80 {strides = array<i32>} : memref<128xi32, #tpu.memory_space<vmem>>, vector<16xi32>,
      %add3A = arith.constant 4 : i32
      %add3A_83 = vector.broadcast %add3A : i32 to vector<16xi32>
      %add3A_84 = arith.addi %iota3A, %add3A_83 : vector<16xi32>
      %get3A_85 = arith.constant 0 : index
      %get3A_86 = tpu.vector_load %arg22[%get3A_85] {strides = array<i32>} : memref<16xi32, #tpu.memory_space<vmem>>, vector<16xi32>,
      %ge3A = arith.constant 12 : i32
      %ge3A_87 = vector.broadcast %ge3A : i32 to vector<16xi32>
      %ge3A_88 = arith.cmpi sge, %iota3A, %ge3A_87 : vector<16xi32>
      tpu.vector_store_idx %arg15[%add3A_84], %get3A_86 masked %ge3A_88 : memref<128xi32, #tpu.memory_space<vmem>>[vector<16xi32>], vector<16xi32>, vector<16xi1>
      %dma_start3A = arith.constant 0 : i32
      %dma_start3A_89 = arith.constant 0 : i32
      %dma_start3A_90 = tpu.memref_slice %arg5[%dma_start3A, %dma_start3A_89] : memref<100000x128xf32, #tpu.memory_space<hbm>> -> memref<100000x128xf32, #tpu.memory_space<hbm>>
      tpu.enqueue_indirect_dma source(%dma_start3A_90 : memref<100000x128xf32, #tpu.memory_space<hbm>>) target(%arg12 : memref<128x128xf32, #tpu.memory_space<vmem>>) offsets(%arg15 : memref<128xi32, #tpu.memory_space<vmem>>) semaphore(%arg26 : memref<!tpu.dma_semaphore, #tpu.memory_space<semaphore_mem>>)
      %dma_wait3A = arith.constant 0 : i32
      %dma_wait3A_91 = arith.constant 0 : i32
      %dma_wait3A_92 = tpu.memref_slice %arg5[%dma_wait3A, %dma_wait3A_91] : memref<100000x128xf32, #tpu.memory_space<hbm>> -> memref<100000x128xf32, #tpu.memory_space<hbm>>
      tpu.wait_indirect_dma semaphore(%arg26 : memref<!tpu.dma_semaphore, #tpu.memory_space<semaphore_mem>>) src(%dma_wait3A_92 : memref<100000x128xf32, #tpu.memory_space<hbm>>) dst(%arg12 : memref<128x128xf32, #tpu.memory_space<vmem>>)
      "tpu.region"() ({
        %run_scoped3A = tpu.sem_alloc : memref<!tpu.dma_semaphore, #tpu.memory_space<semaphore_mem>>
        tpu.enqueue_dma source(%arg12 : memref<128x128xf32, #tpu.memory_space<vmem>>) target(%arg7 : memref<128x128xf32, #tpu.memory_space<hbm>>) target_semaphore(%run_scoped3A : memref<!tpu.dma_semaphore, #tpu.memory_space<semaphore_mem>>)
        tpu.wait_dma2 semaphore(%run_scoped3A : memref<!tpu.dma_semaphore, #tpu.memory_space<semaphore_mem>>) src(%arg12 : memref<128x128xf32, #tpu.memory_space<vmem>>) dst(%arg7 : memref<128x128xf32, #tpu.memory_space<hbm>>)
        tpu.yield
      }) : () -> ()
      %add3A_93 = arith.constant 0 : i32
      %add3A_94 = vector.broadcast %add3A_93 : i32 to vector<16xi32>
      %add3A_95 = arith.addi %add3A_94, %iota3A : vector<16xi32>
      %gather3A = tpu.vector_load_idx %arg15[%add3A_95] : memref<128xi32, #tpu.memory_space<vmem>>[vector<16xi32>], vector<16xi32>,
      %shift_right_arithmetic3A = arith.constant 7 : i32
      %shift_right_arithmetic3A_96 = vector.broadcast %shift_right_arithmetic3A : i32 to vector<16xi32>
      %shift_right_arithmetic3A_97 = arith.shrsi %gather3A, %shift_right_arithmetic3A_96 : vector<16xi32>
      tpu.vector_store_idx %arg16[%add3A_95], %shift_right_arithmetic3A_97 : memref<128xi32, #tpu.memory_space<vmem>>[vector<16xi32>], vector<16xi32>,
      %add3A_98 = arith.constant 16 : i32
      %add3A_99 = vector.broadcast %add3A_98 : i32 to vector<16xi32>
      %add3A_100 = arith.addi %add3A_99, %iota3A : vector<16xi32>
      %gather3A_101 = tpu.vector_load_idx %arg15[%add3A_100] : memref<128xi32, #tpu.memory_space<vmem>>[vector<16xi32>], vector<16xi32>,
      %shift_right_arithmetic3A_102 = arith.constant 7 : i32
      %shift_right_arithmetic3A_103 = vector.broadcast %shift_right_arithmetic3A_102 : i32 to vector<16xi32>
      %shift_right_arithmetic3A_104 = arith.shrsi %gather3A_101, %shift_right_arithmetic3A_103 : vector<16xi32>
      tpu.vector_store_idx %arg16[%add3A_100], %shift_right_arithmetic3A_104 : memref<128xi32, #tpu.memory_space<vmem>>[vector<16xi32>], vector<16xi32>,
      %add3A_105 = arith.constant 32 : i32
      %add3A_106 = vector.broadcast %add3A_105 : i32 to vector<16xi32>
      %add3A_107 = arith.addi %add3A_106, %iota3A : vector<16xi32>
      %gather3A_108 = tpu.vector_load_idx %arg15[%add3A_107] : memref<128xi32, #tpu.memory_space<vmem>>[vector<16xi32>], vector<16xi32>,
      %shift_right_arithmetic3A_109 = arith.constant 7 : i32
      %shift_right_arithmetic3A_110 = vector.broadcast %shift_right_arithmetic3A_109 : i32 to vector<16xi32>
      %shift_right_arithmetic3A_111 = arith.shrsi %gather3A_108, %shift_right_arithmetic3A_110 : vector<16xi32>
      tpu.vector_store_idx %arg16[%add3A_107], %shift_right_arithmetic3A_111 : memref<128xi32, #tpu.memory_space<vmem>>[vector<16xi32>], vector<16xi32>,
      %add3A_112 = arith.constant 48 : i32
      %add3A_113 = vector.broadcast %add3A_112 : i32 to vector<16xi32>
      %add3A_114 = arith.addi %add3A_113, %iota3A : vector<16xi32>
      %gather3A_115 = tpu.vector_load_idx %arg15[%add3A_114] : memref<128xi32, #tpu.memory_space<vmem>>[vector<16xi32>], vector<16xi32>,
      %shift_right_arithmetic3A_116 = arith.constant 7 : i32
      %shift_right_arithmetic3A_117 = vector.broadcast %shift_right_arithmetic3A_116 : i32 to vector<16xi32>
      %shift_right_arithmetic3A_118 = arith.shrsi %gather3A_115, %shift_right_arithmetic3A_117 : vector<16xi32>
      tpu.vector_store_idx %arg16[%add3A_114], %shift_right_arithmetic3A_118 : memref<128xi32, #tpu.memory_space<vmem>>[vector<16xi32>], vector<16xi32>,
      %add3A_119 = arith.constant 64 : i32
      %add3A_120 = vector.broadcast %add3A_119 : i32 to vector<16xi32>
      %add3A_121 = arith.addi %add3A_120, %iota3A : vector<16xi32>
      %gather3A_122 = tpu.vector_load_idx %arg15[%add3A_121] : memref<128xi32, #tpu.memory_space<vmem>>[vector<16xi32>], vector<16xi32>,
      %shift_right_arithmetic3A_123 = arith.constant 7 : i32
      %shift_right_arithmetic3A_124 = vector.broadcast %shift_right_arithmetic3A_123 : i32 to vector<16xi32>
      %shift_right_arithmetic3A_125 = arith.shrsi %gather3A_122, %shift_right_arithmetic3A_124 : vector<16xi32>
      tpu.vector_store_idx %arg16[%add3A_121], %shift_right_arithmetic3A_125 : memref<128xi32, #tpu.memory_space<vmem>>[vector<16xi32>], vector<16xi32>,
      %add3A_126 = arith.constant 80 : i32
      %add3A_127 = vector.broadcast %add3A_126 : i32 to vector<16xi32>
      %add3A_128 = arith.addi %add3A_127, %iota3A : vector<16xi32>
      %gather3A_129 = tpu.vector_load_idx %arg15[%add3A_128] : memref<128xi32, #tpu.memory_space<vmem>>[vector<16xi32>], vector<16xi32>,
      %shift_right_arithmetic3A_130 = arith.constant 7 : i32
      %shift_right_arithmetic3A_131 = vector.broadcast %shift_right_arithmetic3A_130 : i32 to vector<16xi32>
      %shift_right_arithmetic3A_132 = arith.shrsi %gather3A_129, %shift_right_arithmetic3A_131 : vector<16xi32>
      tpu.vector_store_idx %arg16[%add3A_128], %shift_right_arithmetic3A_132 : memref<128xi32, #tpu.memory_space<vmem>>[vector<16xi32>], vector<16xi32>,
      %add3A_133 = arith.constant 96 : i32
      %add3A_134 = vector.broadcast %add3A_133 : i32 to vector<16xi32>
      %add3A_135 = arith.addi %add3A_134, %iota3A : vector<16xi32>
      %gather3A_136 = tpu.vector_load_idx %arg15[%add3A_135] : memref<128xi32, #tpu.memory_space<vmem>>[vector<16xi32>], vector<16xi32>,
      %shift_right_arithmetic3A_137 = arith.constant 7 : i32
      %shift_right_arithmetic3A_138 = vector.broadcast %shift_right_arithmetic3A_137 : i32 to vector<16xi32>
      %shift_right_arithmetic3A_139 = arith.shrsi %gather3A_136, %shift_right_arithmetic3A_138 : vector<16xi32>
      tpu.vector_store_idx %arg16[%add3A_135], %shift_right_arithmetic3A_139 : memref<128xi32, #tpu.memory_space<vmem>>[vector<16xi32>], vector<16xi32>,
      %add3A_140 = arith.constant 112 : i32
      %add3A_141 = vector.broadcast %add3A_140 : i32 to vector<16xi32>
      %add3A_142 = arith.addi %add3A_141, %iota3A : vector<16xi32>
      %gather3A_143 = tpu.vector_load_idx %arg15[%add3A_142] : memref<128xi32, #tpu.memory_space<vmem>>[vector<16xi32>], vector<16xi32>,
      %shift_right_arithmetic3A_144 = arith.constant 7 : i32
      %shift_right_arithmetic3A_145 = vector.broadcast %shift_right_arithmetic3A_144 : i32 to vector<16xi32>
      %shift_right_arithmetic3A_146 = arith.shrsi %gather3A_143, %shift_right_arithmetic3A_145 : vector<16xi32>
      tpu.vector_store_idx %arg16[%add3A_142], %shift_right_arithmetic3A_146 : memref<128xi32, #tpu.memory_space<vmem>>[vector<16xi32>], vector<16xi32>,
      %dma_start3A_147 = arith.constant 0 : i32
      %dma_start3A_148 = arith.constant 0 : i32
      %dma_start3A_149 = tpu.memref_slice %arg6[%dma_start3A_147, %dma_start3A_148] : memref<800x128xf32, #tpu.memory_space<hbm>> -> memref<800x128xf32, #tpu.memory_space<hbm>>
      tpu.enqueue_indirect_dma source(%dma_start3A_149 : memref<800x128xf32, #tpu.memory_space<hbm>>) target(%arg13 : memref<128x128xf32, #tpu.memory_space<vmem>>) offsets(%arg16 : memref<128xi32, #tpu.memory_space<vmem>>) semaphore(%arg27 : memref<!tpu.dma_semaphore, #tpu.memory_space<semaphore_mem>>)
      %dma_wait3A_150 = arith.constant 0 : i32
      %dma_wait3A_151 = arith.constant 0 : i32
      %dma_wait3A_152 = tpu.memref_slice %arg6[%dma_wait3A_150, %dma_wait3A_151] : memref<800x128xf32, #tpu.memory_space<hbm>> -> memref<800x128xf32, #tpu.memory_space<hbm>>
      tpu.wait_indirect_dma semaphore(%arg27 : memref<!tpu.dma_semaphore, #tpu.memory_space<semaphore_mem>>) src(%dma_wait3A_152 : memref<800x128xf32, #tpu.memory_space<hbm>>) dst(%arg13 : memref<128x128xf32, #tpu.memory_space<vmem>>)
      %add3A_153 = arith.constant 0 : i32
      %add3A_154 = vector.broadcast %add3A_153 : i32 to vector<16xi32>
      %add3A_155 = arith.addi %add3A_154, %iota3A : vector<16xi32>
      %gather3A_156 = tpu.vector_load_idx %arg15[%add3A_155] : memref<128xi32, #tpu.memory_space<vmem>>[vector<16xi32>], vector<16xi32>,
      %and3A = arith.constant 127 : i32
      %and3A_157 = vector.broadcast %and3A : i32 to vector<16xi32>
      %and3A_158 = arith.andi %gather3A_156, %and3A_157 : vector<16xi32>
      %gather3A_159 = tpu.vector_load_idx %arg13[%add3A_155, %and3A_158] : memref<128x128xf32, #tpu.memory_space<vmem>>[vector<16xi32>, vector<16xi32>], vector<16xf32>,
      tpu.vector_store_idx %arg14[%add3A_155], %gather3A_159 : memref<128xf32, #tpu.memory_space<vmem>>[vector<16xi32>], vector<16xf32>,
      %add3A_160 = arith.constant 16 : i32
      %add3A_161 = vector.broadcast %add3A_160 : i32 to vector<16xi32>
      %add3A_162 = arith.addi %add3A_161, %iota3A : vector<16xi32>
      %gather3A_163 = tpu.vector_load_idx %arg15[%add3A_162] : memref<128xi32, #tpu.memory_space<vmem>>[vector<16xi32>], vector<16xi32>,
      %and3A_164 = arith.constant 127 : i32
      %and3A_165 = vector.broadcast %and3A_164 : i32 to vector<16xi32>
      %and3A_166 = arith.andi %gather3A_163, %and3A_165 : vector<16xi32>
      %gather3A_167 = tpu.vector_load_idx %arg13[%add3A_162, %and3A_166] : memref<128x128xf32, #tpu.memory_space<vmem>>[vector<16xi32>, vector<16xi32>], vector<16xf32>,
      tpu.vector_store_idx %arg14[%add3A_162], %gather3A_167 : memref<128xf32, #tpu.memory_space<vmem>>[vector<16xi32>], vector<16xf32>,
      %add3A_168 = arith.constant 32 : i32
      %add3A_169 = vector.broadcast %add3A_168 : i32 to vector<16xi32>
      %add3A_170 = arith.addi %add3A_169, %iota3A : vector<16xi32>
      %gather3A_171 = tpu.vector_load_idx %arg15[%add3A_170] : memref<128xi32, #tpu.memory_space<vmem>>[vector<16xi32>], vector<16xi32>,
      %and3A_172 = arith.constant 127 : i32
      %and3A_173 = vector.broadcast %and3A_172 : i32 to vector<16xi32>
      %and3A_174 = arith.andi %gather3A_171, %and3A_173 : vector<16xi32>
      %gather3A_175 = tpu.vector_load_idx %arg13[%add3A_170, %and3A_174] : memref<128x128xf32, #tpu.memory_space<vmem>>[vector<16xi32>, vector<16xi32>], vector<16xf32>,
      tpu.vector_store_idx %arg14[%add3A_170], %gather3A_175 : memref<128xf32, #tpu.memory_space<vmem>>[vector<16xi32>], vector<16xf32>,
      %add3A_176 = arith.constant 48 : i32
      %add3A_177 = vector.broadcast %add3A_176 : i32 to vector<16xi32>
      %add3A_178 = arith.addi %add3A_177, %iota3A : vector<16xi32>
      %gather3A_179 = tpu.vector_load_idx %arg15[%add3A_178] : memref<128xi32, #tpu.memory_space<vmem>>[vector<16xi32>], vector<16xi32>,
      %and3A_180 = arith.constant 127 : i32
      %and3A_181 = vector.broadcast %and3A_180 : i32 to vector<16xi32>
      %and3A_182 = arith.andi %gather3A_179, %and3A_181 : vector<16xi32>
      %gather3A_183 = tpu.vector_load_idx %arg13[%add3A_178, %and3A_182] : memref<128x128xf32, #tpu.memory_space<vmem>>[vector<16xi32>, vector<16xi32>], vector<16xf32>,
      tpu.vector_store_idx %arg14[%add3A_178], %gather3A_183 : memref<128xf32, #tpu.memory_space<vmem>>[vector<16xi32>], vector<16xf32>,
      %add3A_184 = arith.constant 64 : i32
      %add3A_185 = vector.broadcast %add3A_184 : i32 to vector<16xi32>
      %add3A_186 = arith.addi %add3A_185, %iota3A : vector<16xi32>
      %gather3A_187 = tpu.vector_load_idx %arg15[%add3A_186] : memref<128xi32, #tpu.memory_space<vmem>>[vector<16xi32>], vector<16xi32>,
      %and3A_188 = arith.constant 127 : i32
      %and3A_189 = vector.broadcast %and3A_188 : i32 to vector<16xi32>
      %and3A_190 = arith.andi %gather3A_187, %and3A_189 : vector<16xi32>
      %gather3A_191 = tpu.vector_load_idx %arg13[%add3A_186, %and3A_190] : memref<128x128xf32, #tpu.memory_space<vmem>>[vector<16xi32>, vector<16xi32>], vector<16xf32>,
      tpu.vector_store_idx %arg14[%add3A_186], %gather3A_191 : memref<128xf32, #tpu.memory_space<vmem>>[vector<16xi32>], vector<16xf32>,
      %add3A_192 = arith.constant 80 : i32
      %add3A_193 = vector.broadcast %add3A_192 : i32 to vector<16xi32>
      %add3A_194 = arith.addi %add3A_193, %iota3A : vector<16xi32>
      %gather3A_195 = tpu.vector_load_idx %arg15[%add3A_194] : memref<128xi32, #tpu.memory_space<vmem>>[vector<16xi32>], vector<16xi32>,
      %and3A_196 = arith.constant 127 : i32
      %and3A_197 = vector.broadcast %and3A_196 : i32 to vector<16xi32>
      %and3A_198 = arith.andi %gather3A_195, %and3A_197 : vector<16xi32>
      %gather3A_199 = tpu.vector_load_idx %arg13[%add3A_194, %and3A_198] : memref<128x128xf32, #tpu.memory_space<vmem>>[vector<16xi32>, vector<16xi32>], vector<16xf32>,
      tpu.vector_store_idx %arg14[%add3A_194], %gather3A_199 : memref<128xf32, #tpu.memory_space<vmem>>[vector<16xi32>], vector<16xf32>,
      %add3A_200 = arith.constant 96 : i32
      %add3A_201 = vector.broadcast %add3A_200 : i32 to vector<16xi32>
      %add3A_202 = arith.addi %add3A_201, %iota3A : vector<16xi32>
      %gather3A_203 = tpu.vector_load_idx %arg15[%add3A_202] : memref<128xi32, #tpu.memory_space<vmem>>[vector<16xi32>], vector<16xi32>,
      %and3A_204 = arith.constant 127 : i32
      %and3A_205 = vector.broadcast %and3A_204 : i32 to vector<16xi32>
      %and3A_206 = arith.andi %gather3A_203, %and3A_205 : vector<16xi32>
      %gather3A_207 = tpu.vector_load_idx %arg13[%add3A_202, %and3A_206] : memref<128x128xf32, #tpu.memory_space<vmem>>[vector<16xi32>, vector<16xi32>], vector<16xf32>,
      tpu.vector_store_idx %arg14[%add3A_202], %gather3A_207 : memref<128xf32, #tpu.memory_space<vmem>>[vector<16xi32>], vector<16xf32>,
      %add3A_208 = arith.constant 112 : i32
      %add3A_209 = vector.broadcast %add3A_208 : i32 to vector<16xi32>
      %add3A_210 = arith.addi %add3A_209, %iota3A : vector<16xi32>
      %gather3A_211 = tpu.vector_load_idx %arg15[%add3A_210] : memref<128xi32, #tpu.memory_space<vmem>>[vector<16xi32>], vector<16xi32>,
      %and3A_212 = arith.constant 127 : i32
      %and3A_213 = vector.broadcast %and3A_212 : i32 to vector<16xi32>
      %and3A_214 = arith.andi %gather3A_211, %and3A_213 : vector<16xi32>
      %gather3A_215 = tpu.vector_load_idx %arg13[%add3A_210, %and3A_214] : memref<128x128xf32, #tpu.memory_space<vmem>>[vector<16xi32>, vector<16xi32>], vector<16xf32>,
      tpu.vector_store_idx %arg14[%add3A_210], %gather3A_215 : memref<128xf32, #tpu.memory_space<vmem>>[vector<16xi32>], vector<16xf32>,
      "tpu.region"() ({
        %run_scoped3A = tpu.sem_alloc : memref<!tpu.dma_semaphore, #tpu.memory_space<semaphore_mem>>
        tpu.enqueue_dma source(%arg14 : memref<128xf32, #tpu.memory_space<vmem>>) target(%arg8 : memref<128xf32, #tpu.memory_space<hbm>>) target_semaphore(%run_scoped3A : memref<!tpu.dma_semaphore, #tpu.memory_space<semaphore_mem>>)
        tpu.wait_dma2 semaphore(%run_scoped3A : memref<!tpu.dma_semaphore, #tpu.memory_space<semaphore_mem>>) src(%arg14 : memref<128xf32, #tpu.memory_space<vmem>>) dst(%arg8 : memref<128xf32, #tpu.memory_space<hbm>>)
        tpu.yield
      }) : () -> ()
    } else {
    }
    return
  }
}

#map = affine_map<(d0, d1) -> (0)>
#map1 = affine_map<(d0, d1) -> (0, 0)>
module attributes {stable_mosaic.version = 14 : i64} {
  func.func @sc_gather(%arg0: i32, %arg1: i32, %arg2: memref<4096xi32, #tpu.memory_space<hbm>>, %arg3: memref<100000x128xf32, #tpu.memory_space<hbm>>, %arg4: memref<800x128xf32, #tpu.memory_space<hbm>>, %arg5: memref<4096x128xf32, #tpu.memory_space<hbm>>, %arg6: memref<4096xf32, #tpu.memory_space<hbm>>, %arg7: memref<256x128xf32, #tpu.memory_space<vmem>>, %arg8: memref<256x128xf32, #tpu.memory_space<vmem>>, %arg9: memref<256xf32, #tpu.memory_space<vmem>>, %arg10: memref<256xi32, #tpu.memory_space<vmem>>, %arg11: memref<256xi32, #tpu.memory_space<vmem>>, %arg12: memref<!tpu.dma_semaphore, #tpu.memory_space<semaphore_mem>>, %arg13: memref<!tpu.dma_semaphore, #tpu.memory_space<semaphore_mem>>) attributes {dimension_semantics = [#tpu.dimension_semantics<core_parallel>, #tpu.dimension_semantics<subcore_parallel>], iteration_bounds = array<i64: 1, 16>, scalar_prefetch = 0 : i64, scratch_operands = 7 : i64, tpu.core_type = #tpu.core_type<sc_vector_subcore>, window_params = [{transform_indices = #map}, {transform_indices = #map1}, {transform_indices = #map1}, {transform_indices = #map1}, {transform_indices = #map}]} {
    %iota3A = tpu.iota {dimensions = array<i32: 0>} : vector<16xi32>
    %mul3A = arith.constant 256 : i32
    %mul3A_0 = arith.muli %arg1, %mul3A : i32
    "tpu.region"() ({
      %run_scoped3A = tpu.sem_alloc : memref<!tpu.dma_semaphore, #tpu.memory_space<semaphore_mem>>
      %dma_start3A_22 = tpu.memref_slice %arg2[%mul3A_0] : memref<4096xi32, #tpu.memory_space<hbm>> -> memref<256xi32, #tpu.memory_space<hbm>>
      %dma_start3A_23 = tpu.memref_slice %arg2[%mul3A_0] : memref<4096xi32, #tpu.memory_space<hbm>> -> memref<256xi32, #tpu.memory_space<hbm>>
      tpu.enqueue_dma source(%dma_start3A_23 : memref<256xi32, #tpu.memory_space<hbm>>) target(%arg10 : memref<256xi32, #tpu.memory_space<vmem>>) target_semaphore(%run_scoped3A : memref<!tpu.dma_semaphore, #tpu.memory_space<semaphore_mem>>)
      %dma_wait3A_24 = tpu.memref_slice %arg2[%mul3A_0] : memref<4096xi32, #tpu.memory_space<hbm>> -> memref<256xi32, #tpu.memory_space<hbm>>
      %dma_wait3A_25 = tpu.memref_slice %arg2[%mul3A_0] : memref<4096xi32, #tpu.memory_space<hbm>> -> memref<256xi32, #tpu.memory_space<hbm>>
      tpu.wait_dma2 semaphore(%run_scoped3A : memref<!tpu.dma_semaphore, #tpu.memory_space<semaphore_mem>>) src(%dma_wait3A_25 : memref<256xi32, #tpu.memory_space<hbm>>) dst(%arg10 : memref<256xi32, #tpu.memory_space<vmem>>)
      tpu.yield
    }) : () -> ()
    %dma_start3A = arith.constant 0 : i32
    %dma_start3A_1 = arith.constant 0 : i32
    %dma_start3A_2 = tpu.memref_slice %arg3[%dma_start3A, %dma_start3A_1] : memref<100000x128xf32, #tpu.memory_space<hbm>> -> memref<100000x128xf32, #tpu.memory_space<hbm>>
    tpu.enqueue_indirect_dma source(%dma_start3A_2 : memref<100000x128xf32, #tpu.memory_space<hbm>>) target(%arg7 : memref<256x128xf32, #tpu.memory_space<vmem>>) offsets(%arg10 : memref<256xi32, #tpu.memory_space<vmem>>) semaphore(%arg12 : memref<!tpu.dma_semaphore, #tpu.memory_space<semaphore_mem>>)
    %scan3A = arith.constant 0 : i32
    %scan3A_3 = arith.constant 0 : i32
    %scan3A_4 = arith.constant 16 : i32
    %scan3A_5 = arith.addi %scan3A_3, %scan3A_4 : i32
    %scan3A_6 = arith.constant 1 : i32
    scf.for %scan3A_22 = %scan3A_3 to %scan3A_5 step %scan3A_6  : i32 {
      %mul3A_23 = arith.constant 16 : i32
      %mul3A_24 = arith.muli %scan3A_22, %mul3A_23 : i32
      %add3A = vector.broadcast %mul3A_24 : i32 to vector<16xi32>
      %add3A_25 = arith.addi %add3A, %iota3A : vector<16xi32>
      %gather3A = tpu.vector_load_idx %arg10[%add3A_25] : memref<256xi32, #tpu.memory_space<vmem>>[vector<16xi32>], vector<16xi32>,
      %shift_right_arithmetic3A = arith.constant 7 : i32
      %shift_right_arithmetic3A_26 = vector.broadcast %shift_right_arithmetic3A : i32 to vector<16xi32>
      %shift_right_arithmetic3A_27 = arith.shrsi %gather3A, %shift_right_arithmetic3A_26 : vector<16xi32>
      tpu.vector_store_idx %arg11[%add3A_25], %shift_right_arithmetic3A_27 : memref<256xi32, #tpu.memory_space<vmem>>[vector<16xi32>], vector<16xi32>,
    }
    %scan3A_7 = arith.constant 16 : i32
    %dma_start3A_8 = arith.constant 0 : i32
    %dma_start3A_9 = arith.constant 0 : i32
    %dma_start3A_10 = tpu.memref_slice %arg4[%dma_start3A_8, %dma_start3A_9] : memref<800x128xf32, #tpu.memory_space<hbm>> -> memref<800x128xf32, #tpu.memory_space<hbm>>
    tpu.enqueue_indirect_dma source(%dma_start3A_10 : memref<800x128xf32, #tpu.memory_space<hbm>>) target(%arg8 : memref<256x128xf32, #tpu.memory_space<vmem>>) offsets(%arg11 : memref<256xi32, #tpu.memory_space<vmem>>) semaphore(%arg13 : memref<!tpu.dma_semaphore, #tpu.memory_space<semaphore_mem>>)
    %dma_wait3A = arith.constant 0 : i32
    %dma_wait3A_11 = arith.constant 0 : i32
    %dma_wait3A_12 = tpu.memref_slice %arg3[%dma_wait3A, %dma_wait3A_11] : memref<100000x128xf32, #tpu.memory_space<hbm>> -> memref<100000x128xf32, #tpu.memory_space<hbm>>
    tpu.wait_indirect_dma semaphore(%arg12 : memref<!tpu.dma_semaphore, #tpu.memory_space<semaphore_mem>>) src(%dma_wait3A_12 : memref<100000x128xf32, #tpu.memory_space<hbm>>) dst(%arg7 : memref<256x128xf32, #tpu.memory_space<vmem>>)
    "tpu.region"() ({
      %run_scoped3A = tpu.sem_alloc : memref<!tpu.dma_semaphore, #tpu.memory_space<semaphore_mem>>
      %dma_start3A_22 = arith.constant 0 : i32
      %dma_start3A_23 = tpu.memref_slice %arg5[%mul3A_0, %dma_start3A_22] : memref<4096x128xf32, #tpu.memory_space<hbm>> -> memref<256x128xf32, #tpu.memory_space<hbm>>
      %dma_start3A_24 = arith.constant 0 : i32
      %dma_start3A_25 = tpu.memref_slice %arg5[%mul3A_0, %dma_start3A_24] : memref<4096x128xf32, #tpu.memory_space<hbm>> -> memref<256x128xf32, #tpu.memory_space<hbm>>
      tpu.enqueue_dma source(%arg7 : memref<256x128xf32, #tpu.memory_space<vmem>>) target(%dma_start3A_25 : memref<256x128xf32, #tpu.memory_space<hbm>>) target_semaphore(%run_scoped3A : memref<!tpu.dma_semaphore, #tpu.memory_space<semaphore_mem>>)
      %dma_wait3A_26 = arith.constant 0 : i32
      %dma_wait3A_27 = tpu.memref_slice %arg5[%mul3A_0, %dma_wait3A_26] : memref<4096x128xf32, #tpu.memory_space<hbm>> -> memref<256x128xf32, #tpu.memory_space<hbm>>
      %dma_wait3A_28 = arith.constant 0 : i32
      %dma_wait3A_29 = tpu.memref_slice %arg5[%mul3A_0, %dma_wait3A_28] : memref<4096x128xf32, #tpu.memory_space<hbm>> -> memref<256x128xf32, #tpu.memory_space<hbm>>
      tpu.wait_dma2 semaphore(%run_scoped3A : memref<!tpu.dma_semaphore, #tpu.memory_space<semaphore_mem>>) src(%arg7 : memref<256x128xf32, #tpu.memory_space<vmem>>) dst(%dma_wait3A_29 : memref<256x128xf32, #tpu.memory_space<hbm>>)
      tpu.yield
    }) : () -> ()
    %dma_wait3A_13 = arith.constant 0 : i32
    %dma_wait3A_14 = arith.constant 0 : i32
    %dma_wait3A_15 = tpu.memref_slice %arg4[%dma_wait3A_13, %dma_wait3A_14] : memref<800x128xf32, #tpu.memory_space<hbm>> -> memref<800x128xf32, #tpu.memory_space<hbm>>
    tpu.wait_indirect_dma semaphore(%arg13 : memref<!tpu.dma_semaphore, #tpu.memory_space<semaphore_mem>>) src(%dma_wait3A_15 : memref<800x128xf32, #tpu.memory_space<hbm>>) dst(%arg8 : memref<256x128xf32, #tpu.memory_space<vmem>>)
    %scan3A_16 = arith.constant 0 : i32
    %scan3A_17 = arith.constant 0 : i32
    %scan3A_18 = arith.constant 16 : i32
    %scan3A_19 = arith.addi %scan3A_17, %scan3A_18 : i32
    %scan3A_20 = arith.constant 1 : i32
    scf.for %scan3A_22 = %scan3A_17 to %scan3A_19 step %scan3A_20  : i32 {
      %mul3A_23 = arith.constant 16 : i32
      %mul3A_24 = arith.muli %scan3A_22, %mul3A_23 : i32
      %add3A = vector.broadcast %mul3A_24 : i32 to vector<16xi32>
      %add3A_25 = arith.addi %add3A, %iota3A : vector<16xi32>
      %gather3A = tpu.vector_load_idx %arg10[%add3A_25] : memref<256xi32, #tpu.memory_space<vmem>>[vector<16xi32>], vector<16xi32>,
      %and3A = arith.constant 127 : i32
      %and3A_26 = vector.broadcast %and3A : i32 to vector<16xi32>
      %and3A_27 = arith.andi %gather3A, %and3A_26 : vector<16xi32>
      %gather3A_28 = tpu.vector_load_idx %arg8[%add3A_25, %and3A_27] : memref<256x128xf32, #tpu.memory_space<vmem>>[vector<16xi32>, vector<16xi32>], vector<16xf32>,
      tpu.vector_store_idx %arg9[%add3A_25], %gather3A_28 : memref<256xf32, #tpu.memory_space<vmem>>[vector<16xi32>], vector<16xf32>,
    }
    %scan3A_21 = arith.constant 16 : i32
    "tpu.region"() ({
      %run_scoped3A = tpu.sem_alloc : memref<!tpu.dma_semaphore, #tpu.memory_space<semaphore_mem>>
      %dma_start3A_22 = tpu.memref_slice %arg6[%mul3A_0] : memref<4096xf32, #tpu.memory_space<hbm>> -> memref<256xf32, #tpu.memory_space<hbm>>
      %dma_start3A_23 = tpu.memref_slice %arg6[%mul3A_0] : memref<4096xf32, #tpu.memory_space<hbm>> -> memref<256xf32, #tpu.memory_space<hbm>>
      tpu.enqueue_dma source(%arg9 : memref<256xf32, #tpu.memory_space<vmem>>) target(%dma_start3A_23 : memref<256xf32, #tpu.memory_space<hbm>>) target_semaphore(%run_scoped3A : memref<!tpu.dma_semaphore, #tpu.memory_space<semaphore_mem>>)
      %dma_wait3A_24 = tpu.memref_slice %arg6[%mul3A_0] : memref<4096xf32, #tpu.memory_space<hbm>> -> memref<256xf32, #tpu.memory_space<hbm>>
      %dma_wait3A_25 = tpu.memref_slice %arg6[%mul3A_0] : memref<4096xf32, #tpu.memory_space<hbm>> -> memref<256xf32, #tpu.memory_space<hbm>>
      tpu.wait_dma2 semaphore(%run_scoped3A : memref<!tpu.dma_semaphore, #tpu.memory_space<semaphore_mem>>) src(%arg9 : memref<256xf32, #tpu.memory_space<vmem>>) dst(%dma_wait3A_25 : memref<256xf32, #tpu.memory_space<hbm>>)
      tpu.yield
    }) : () -> ()
    return
  }
}

module attributes {stable_mosaic.version = 14 : i64} {
  func.func @_tgt_body(%arg0: i32, %arg1: memref<4096x128xf32, #tpu.memory_space<vmem>>, %arg2: memref<512x128xf32, #tpu.memory_space<vmem>>, %arg3: memref<1x1x512xf32, #tpu.memory_space<vmem>>, %arg4: memref<1x1xf32, #tpu.memory_space<smem>>, %arg5: memref<1x128xf32, #tpu.memory_space<vmem>>) attributes {dimension_semantics = [#tpu.dimension_semantics<arbitrary>], iteration_bounds = array<i64: 8>, scalar_prefetch = 0 : i64, scratch_operands = 1 : i64, tpu.core_type = #tpu.core_type<tc>, window_params = [{pipeline_mode = #tpu.pipeline_mode<synchronous>, transform_indices = @transform_0, window_bounds = array<i64: 4096, 128>}, {transform_indices = @transform_1, window_bounds = array<i64: 512, 128>}, {transform_indices = @transform_2, window_bounds = array<i64: 1, 1, 512>}, {transform_indices = @transform_3, window_bounds = array<i64: 1, 1>}]} {
    %eq3A = arith.constant 0 : i32
    %eq3A_0 = arith.cmpi eq, %arg0, %eq3A : i32
    %convert_element_type3A = arith.extui %eq3A_0 : i1 to i32
    %cond3A = arith.constant 0 : i32
    %cond3A_1 = arith.cmpi ne, %convert_element_type3A, %cond3A : i32
    scf.if %cond3A_1 {
      %get3A_71 = arith.constant 0 : index
      %get3A_72 = arith.constant 0 : index
      %get3A_73 = vector.load %arg1[%get3A_71, %get3A_72] : memref<4096x128xf32, #tpu.memory_space<vmem>>, vector<4096x128xf32>
      %reduce_sum3A_74 = arith.constant dense<0.000000e+00> : vector<128xf32>
      %reduce_sum3A_75 = vector.multi_reduction <add>, %get3A_73, %reduce_sum3A_74 [0] : vector<4096x128xf32> to vector<128xf32>
      %broadcast_in_dim3A_76 = vector.shape_cast %reduce_sum3A_75 : vector<128xf32> to vector<1x128xf32>
      %swap3A = arith.constant 0 : index
      %swap3A_77 = arith.constant 0 : index
      %swap3A_78 = vector.load %arg5[%swap3A, %swap3A_77] : memref<1x128xf32, #tpu.memory_space<vmem>>, vector<1x128xf32>
      tpu.vector_store %arg5[%swap3A, %swap3A_77], %broadcast_in_dim3A_76 {strides = array<i32>} : memref<1x128xf32, #tpu.memory_space<vmem>>, vector<1x128xf32>,
    } else {
    }
    %get3A = arith.constant 0 : index
    %get3A_2 = arith.constant 0 : index
    %get3A_3 = vector.load %arg1[%get3A, %get3A_2] : memref<4096x128xf32, #tpu.memory_space<vmem>>, vector<4096x128xf32>
    %get3A_4 = arith.constant 0 : index
    %get3A_5 = arith.constant 0 : index
    %get3A_6 = vector.load %arg2[%get3A_4, %get3A_5] : memref<512x128xf32, #tpu.memory_space<vmem>>, vector<512x128xf32>
    %dot_general3A = arith.constant dense<0.000000e+00> : vector<4096x512xf32>
    %dot_general3A_7 = tpu.matmul %get3A_3, %get3A_6, %dot_general3A {dimension_numbers = #tpu.dot_dimension_numbers<[1], [1], [0], [0], [0, 0, 1, 0], [], []>, transpose_lhs_hint = false} : vector<4096x128xf32>, vector<512x128xf32>, vector<4096x512xf32> -> vector<4096x512xf32>
    %get3A_8 = arith.constant 0 : index
    %get3A_9 = arith.constant 0 : index
    %get3A_10 = arith.constant 0 : index
    %get3A_11 = vector.load %arg3[%get3A_8, %get3A_9, %get3A_10] : memref<1x1x512xf32, #tpu.memory_space<vmem>>, vector<1x1x512xf32>
    %get3A_12 = vector.shape_cast %get3A_11 : vector<1x1x512xf32> to vector<1x512xf32>
    %add3A = vector.broadcast %get3A_12 : vector<1x512xf32> to vector<4096x512xf32>
    %add3A_13 = arith.addf %dot_general3A_7, %add3A : vector<4096x512xf32>
    %mul3A = arith.constant 1.44269502 : f32
    %mul3A_14 = vector.broadcast %mul3A : f32 to vector<4096x512xf32>
    %mul3A_15 = arith.mulf %add3A_13, %mul3A_14 : vector<4096x512xf32>
    %neg3A = arith.constant 0.000000e+00 : f32
    %neg3A_16 = vector.broadcast %neg3A : f32 to vector<4096x512xf32>
    %neg3A_17 = arith.subf %neg3A_16, %mul3A_15 : vector<4096x512xf32>
    %min3A = arith.minimumf %mul3A_15, %neg3A_17 : vector<4096x512xf32>
    %exp23A = math.exp2 %min3A : vector<4096x512xf32>
    %add3A_18 = arith.constant 1.000000e+00 : f32
    %add3A_19 = vector.broadcast %add3A_18 : f32 to vector<4096x512xf32>
    %add3A_20 = arith.addf %add3A_19, %exp23A : vector<4096x512xf32>
    %log3A = math.log %add3A_20 : vector<4096x512xf32>
    %reduce_sum3A = vector.shape_cast %min3A : vector<4096x512xf32> to vector<1x4096x512xf32>
    %reduce_sum3A_21 = arith.constant dense<0.000000e+00> : vector<1xf32>
    %reduce_sum3A_22 = vector.multi_reduction <add>, %reduce_sum3A, %reduce_sum3A_21 [1, 2] : vector<1x4096x512xf32> to vector<1xf32>
    %reduce_sum3A_23 = vector.shape_cast %reduce_sum3A_22 : vector<1xf32> to vector<1x1x1xf32>
    %reduce_sum3A_24 = vector.extract %reduce_sum3A_23[0, 0, 0] : f32 from vector<1x1x1xf32>
    %reduce_sum3A_25 = vector.shape_cast %log3A : vector<4096x512xf32> to vector<1x4096x512xf32>
    %reduce_sum3A_26 = arith.constant dense<0.000000e+00> : vector<1xf32>
    %reduce_sum3A_27 = vector.multi_reduction <add>, %reduce_sum3A_25, %reduce_sum3A_26 [1, 2] : vector<1x4096x512xf32> to vector<1xf32>
    %reduce_sum3A_28 = vector.shape_cast %reduce_sum3A_27 : vector<1xf32> to vector<1x1x1xf32>
    %reduce_sum3A_29 = vector.extract %reduce_sum3A_28[0, 0, 0] : f32 from vector<1x1x1xf32>
    %get3A_30 = arith.constant 0 : index
    %get3A_31 = arith.constant 0 : index
    %get3A_32 = vector.load %arg2[%get3A_30, %get3A_31] : memref<512x128xf32, #tpu.memory_space<vmem>>, vector<512x128xf32>
    %reduce_sum3A_33 = arith.constant dense<0.000000e+00> : vector<128xf32>
    %reduce_sum3A_34 = vector.multi_reduction <add>, %get3A_32, %reduce_sum3A_33 [0] : vector<512x128xf32> to vector<128xf32>
    %broadcast_in_dim3A = vector.shape_cast %reduce_sum3A_34 : vector<128xf32> to vector<1x128xf32>
    %get3A_35 = arith.constant 0 : index
    %get3A_36 = arith.constant 0 : index
    %get3A_37 = vector.load %arg5[%get3A_35, %get3A_36] : memref<1x128xf32, #tpu.memory_space<vmem>>, vector<1x128xf32>
    %mul3A_38 = arith.mulf %get3A_37, %broadcast_in_dim3A : vector<1x128xf32>
    %reduce_sum3A_39 = vector.shape_cast %mul3A_38 : vector<1x128xf32> to vector<1x1x128xf32>
    %reduce_sum3A_40 = arith.constant dense<0.000000e+00> : vector<1xf32>
    %reduce_sum3A_41 = vector.multi_reduction <add>, %reduce_sum3A_39, %reduce_sum3A_40 [1, 2] : vector<1x1x128xf32> to vector<1xf32>
    %reduce_sum3A_42 = vector.shape_cast %reduce_sum3A_41 : vector<1xf32> to vector<1x1x1xf32>
    %reduce_sum3A_43 = vector.extract %reduce_sum3A_42[0, 0, 0] : f32 from vector<1x1x1xf32>
    %get3A_44 = arith.constant 0 : index
    %get3A_45 = arith.constant 0 : index
    %get3A_46 = arith.constant 0 : index
    %get3A_47 = vector.load %arg3[%get3A_44, %get3A_45, %get3A_46] : memref<1x1x512xf32, #tpu.memory_space<vmem>>, vector<1x1x512xf32>
    %get3A_48 = vector.shape_cast %get3A_47 : vector<1x1x512xf32> to vector<1x512xf32>
    %reduce_sum3A_49 = vector.shape_cast %get3A_48 : vector<1x512xf32> to vector<1x1x512xf32>
    %reduce_sum3A_50 = arith.constant dense<0.000000e+00> : vector<1xf32>
    %reduce_sum3A_51 = vector.multi_reduction <add>, %reduce_sum3A_49, %reduce_sum3A_50 [1, 2] : vector<1x1x512xf32> to vector<1xf32>
    %reduce_sum3A_52 = vector.shape_cast %reduce_sum3A_51 : vector<1xf32> to vector<1x1x1xf32>
    %reduce_sum3A_53 = vector.extract %reduce_sum3A_52[0, 0, 0] : f32 from vector<1x1x1xf32>
    %mul3A_54 = arith.constant 4.096000e+03 : f32
    %mul3A_55 = arith.mulf %mul3A_54, %reduce_sum3A_53 : f32
    %add3A_56 = arith.addf %reduce_sum3A_43, %mul3A_55 : f32
    %mul3A_57 = arith.constant 5.000000e-01 : f32
    %mul3A_58 = arith.mulf %mul3A_57, %add3A_56 : f32
    %mul3A_59 = arith.constant 0.346573591 : f32
    %mul3A_60 = arith.mulf %mul3A_59, %reduce_sum3A_24 : f32
    %add3A_61 = arith.addf %mul3A_58, %mul3A_60 : f32
    %sub3A = arith.subf %add3A_61, %reduce_sum3A_29 : f32
    %eq3A_62 = arith.constant 0 : i32
    %eq3A_63 = arith.cmpi eq, %arg0, %eq3A_62 : i32
    %convert_element_type3A_64 = arith.extui %eq3A_63 : i1 to i32
    %cond3A_65 = arith.constant 0 : i32
    %cond3A_66 = arith.cmpi ne, %convert_element_type3A_64, %cond3A_65 : i32
    scf.if %cond3A_66 {
      %swap3A = arith.constant 0 : index
      %swap3A_71 = arith.constant 0 : index
      %swap3A_72 = memref.load %arg4[%swap3A, %swap3A_71] : memref<1x1xf32, #tpu.memory_space<smem>>
      memref.store %sub3A, %arg4[%swap3A, %swap3A_71] : memref<1x1xf32, #tpu.memory_space<smem>>
    } else {
    }
    %gt3A = arith.constant 0 : i32
    %gt3A_67 = arith.cmpi sgt, %arg0, %gt3A : i32
    %convert_element_type3A_68 = arith.extui %gt3A_67 : i1 to i32
    %cond3A_69 = arith.constant 0 : i32
    %cond3A_70 = arith.cmpi ne, %convert_element_type3A_68, %cond3A_69 : i32
    scf.if %cond3A_70 {
      %get3A_71 = arith.constant 0 : index
      %get3A_72 = arith.constant 0 : index
      %get3A_73 = memref.load %arg4[%get3A_71, %get3A_72] : memref<1x1xf32, #tpu.memory_space<smem>>
      %add3A_74 = arith.addf %get3A_73, %sub3A : f32
      %swap3A = arith.constant 0 : index
      %swap3A_75 = arith.constant 0 : index
      %swap3A_76 = memref.load %arg4[%swap3A, %swap3A_75] : memref<1x1xf32, #tpu.memory_space<smem>>
      memref.store %add3A_74, %arg4[%swap3A, %swap3A_75] : memref<1x1xf32, #tpu.memory_space<smem>>
    } else {
    }
    return
  }
  func.func @transform_0(%arg0: i32) -> (i32, i32) {
    %c0_i32 = arith.constant 0 : i32
    %c0_i32_0 = arith.constant 0 : i32
    %c0_i32_1 = arith.constant 0 : i32
    return %c0_i32, %c0_i32_0 : i32, i32
  }
  func.func @transform_1(%arg0: i32) -> (i32, i32) {
    %c0_i32 = arith.constant 0 : i32
    %c0_i32_0 = arith.constant 0 : i32
    return %arg0, %c0_i32 : i32, i32
  }
  func.func @transform_2(%arg0: i32) -> (i32, i32, i32) {
    %c0_i32 = arith.constant 0 : i32
    %c0_i32_0 = arith.constant 0 : i32
    %c0_i32_1 = arith.constant 0 : i32
    return %arg0, %c0_i32, %c0_i32_0 : i32, i32, i32
  }
  func.func @transform_3(%arg0: i32) -> (i32, i32) {
    %c0_i32 = arith.constant 0 : i32
    %c0_i32_0 = arith.constant 0 : i32
    %c0_i32_1 = arith.constant 0 : i32
    return %c0_i32, %c0_i32_0 : i32, i32
  }
}

module attributes {stable_mosaic.version = 14 : i64} {
  func.func @_noise_body(%arg0: memref<4096x128xf32, #tpu.memory_space<vmem>>, %arg1: memref<128x128xf32, #tpu.memory_space<vmem>>, %arg2: memref<1x1x128xf32, #tpu.memory_space<vmem>>, %arg3: memref<1x1xf32, #tpu.memory_space<smem>>, %arg4: memref<1x1xf32, #tpu.memory_space<smem>>) attributes {dimension_semantics = [], scalar_prefetch = 0 : i64, scratch_operands = 0 : i64, tpu.core_type = #tpu.core_type<tc>} {
    %get3A = arith.constant 0 : index
    %get3A_0 = arith.constant 0 : index
    %get3A_1 = vector.load %arg0[%get3A, %get3A_0] : memref<4096x128xf32, #tpu.memory_space<vmem>>, vector<4096x128xf32>
    %get3A_2 = arith.constant 0 : index
    %get3A_3 = arith.constant 0 : index
    %get3A_4 = vector.load %arg1[%get3A_2, %get3A_3] : memref<128x128xf32, #tpu.memory_space<vmem>>, vector<128x128xf32>
    %dot_general3A = arith.constant dense<0.000000e+00> : vector<4096x128xf32>
    %dot_general3A_5 = tpu.matmul %get3A_1, %get3A_4, %dot_general3A {dimension_numbers = #tpu.dot_dimension_numbers<[1], [1], [0], [0], [0, 0, 1, 0], [], []>, transpose_lhs_hint = false} : vector<4096x128xf32>, vector<128x128xf32>, vector<4096x128xf32> -> vector<4096x128xf32>
    %get3A_6 = arith.constant 0 : index
    %get3A_7 = arith.constant 0 : index
    %get3A_8 = arith.constant 0 : index
    %get3A_9 = vector.load %arg2[%get3A_6, %get3A_7, %get3A_8] : memref<1x1x128xf32, #tpu.memory_space<vmem>>, vector<1x1x128xf32>
    %get3A_10 = vector.shape_cast %get3A_9 : vector<1x1x128xf32> to vector<1x128xf32>
    %add3A = vector.broadcast %get3A_10 : vector<1x128xf32> to vector<4096x128xf32>
    %add3A_11 = arith.addf %dot_general3A_5, %add3A : vector<4096x128xf32>
    %neg3A = arith.constant 0.000000e+00 : f32
    %neg3A_12 = vector.broadcast %neg3A : f32 to vector<4096x128xf32>
    %neg3A_13 = arith.subf %neg3A_12, %add3A_11 : vector<4096x128xf32>
    %min3A = arith.constant 0.000000e+00 : f32
    %min3A_14 = vector.broadcast %min3A : f32 to vector<4096x128xf32>
    %min3A_15 = arith.minimumf %neg3A_13, %min3A_14 : vector<4096x128xf32>
    %abs3A = math.absf %neg3A_13 : vector<4096x128xf32>
    %neg3A_16 = arith.constant 0.000000e+00 : f32
    %neg3A_17 = vector.broadcast %neg3A_16 : f32 to vector<4096x128xf32>
    %neg3A_18 = arith.subf %neg3A_17, %abs3A : vector<4096x128xf32>
    %exp3A = math.exp %neg3A_18 : vector<4096x128xf32>
    %add3A_19 = arith.constant 1.000000e+00 : f32
    %add3A_20 = vector.broadcast %add3A_19 : f32 to vector<4096x128xf32>
    %add3A_21 = arith.addf %add3A_20, %exp3A : vector<4096x128xf32>
    %log3A = math.log %add3A_21 : vector<4096x128xf32>
    %sub3A = arith.subf %min3A_15, %log3A : vector<4096x128xf32>
    %iota3A = tpu.iota {dimensions = array<i32: 1>} : vector<4096x128xi32>
    %lt3A = arith.constant 20 : i32
    %lt3A_22 = vector.broadcast %lt3A : i32 to vector<4096x128xi32>
    %lt3A_23 = arith.cmpi slt, %iota3A, %lt3A_22 : vector<4096x128xi32>
    %jit3A = arith.constant 0.000000e+00 : f32
    %broadcast_in_dim3A = vector.broadcast %jit3A : f32 to vector<4096x128xf32>
    %select_n3A = arith.select %lt3A_23, %sub3A, %broadcast_in_dim3A : vector<4096x128xi1>, vector<4096x128xf32>
    %reduce_sum3A = vector.shape_cast %select_n3A : vector<4096x128xf32> to vector<1x4096x128xf32>
    %reduce_sum3A_24 = arith.constant dense<0.000000e+00> : vector<1xf32>
    %reduce_sum3A_25 = vector.multi_reduction <add>, %reduce_sum3A, %reduce_sum3A_24 [1, 2] : vector<1x4096x128xf32> to vector<1xf32>
    %reduce_sum3A_26 = vector.shape_cast %reduce_sum3A_25 : vector<1xf32> to vector<1x1x1xf32>
    %reduce_sum3A_27 = vector.extract %reduce_sum3A_26[0, 0, 0] : f32 from vector<1x1x1xf32>
    %get3A_28 = arith.constant 0 : index
    %get3A_29 = arith.constant 0 : index
    %get3A_30 = memref.load %arg3[%get3A_28, %get3A_29] : memref<1x1xf32, #tpu.memory_space<smem>>
    %add3A_31 = arith.addf %reduce_sum3A_27, %get3A_30 : f32
    %neg3A_32 = arith.constant 0.000000e+00 : f32
    %neg3A_33 = arith.subf %neg3A_32, %add3A_31 : f32
    %div3A = arith.constant 0x4B80A000 : f32
    %div3A_34 = arith.divf %neg3A_33, %div3A : f32
    %swap3A = arith.constant 0 : index
    %swap3A_35 = arith.constant 0 : index
    %swap3A_36 = memref.load %arg4[%swap3A, %swap3A_35] : memref<1x1xf32, #tpu.memory_space<smem>>
    memref.store %div3A_34, %arg4[%swap3A, %swap3A_35] : memref<1x1xf32, #tpu.memory_space<smem>>
    return
  }
}

</mosaic_0001>

<sc_bundles>
// kernel: sc_gather.3.cloned.1.call-start
scs
__scs_entry_jumppad:
0x0: {  	(pc) =	sbr.rel $0x88, $3  }
0x1: {  	(tag) =	ssettag $0x0;
	lr =	simm.s32 $0x1  }
0x2: {  	[smem:$0x3F9C] =	sst lr;
	_ =	strace $0xD0000000  }
0x3: {  	_ = 	snop  }
0x4: {  	_ = 	snop  }
0x5: {  	_ = 	snop  }
0x6: {  	_ = 	snop  }
0x7: {  	_ = 	snop  }
__scs_overlays_trampoline_lowered:
0x8: {  	[smem:$0x3FAB] =	sst s0  }
0x9: {  	[smem:$0x3FAC] =	sst s1  }
0xa: {  	[smem:$0x3FAD] =	sst s2  }
0xb: {  	[smem:$0x3FAE] =	sst s3  }
0xc: {  	[smem:$0x3FAF] =	sst s4  }
0xd: {  	[smem:$0x3FB0] =	sst s5  }
0xe: {  	[smem:$0x3FB1] =	sst s6  }
0xf: {  	[smem:$0x3FB2] =	sst s7  }
0x10: {  	[smem:$0x3FB3] =	sst s8  }
0x11: {  	[smem:$0x3FB4] =	sst s9;
	s0 =	simm.s32 @!p0 $0x0  }
0x12: {  	s1 =	sld [smem:$0x3F9A];
	s0 =	simm.s32 @p0 $0x1  }
0x13: {  	[smem:$0x3FB5] =	sst s0;
	s0 =	simm.s32 @!p1 $0x0  }
0x14: {  	s2 =	sld [smem:$0x3F99];
	s0 =	simm.s32 @p1 $0x1  }
0x15: {  	[smem:$0x3FB6] =	sst s0;
	s0 =	simm.s32 @!p2 $0x0  }
0x16: {  	s3 =	sld [smem:$0x3FDB];
	s0 =	simm.s32 @p2 $0x1  }
0x17: {  	s4 =	simm.s32 $0x1BF5;
	[smem:$0x3FB8] =	sst s0  }
0x18: {  	s0 =	sld [smem:$0x3F9B];
	_ =	swait.ge [sflag:s4], $0x0  }
0x19: {  	s7 =	sld [smem:$0x3F9C]  }
0x1a: {  	s8 =	sadd.s32 $0xFFFFE003, lr  }
0x1b: {  	s9 =	sadd.s32 $0xFFFFFEF7, lr;
	s5 =	simm.s32 $0xFFFFFFFF;
	p2 =	slt.u32 s8, $0xFFFFF086  }
0x1c: {  	p1 =	slt.u32 s9, $0xF7A;
	s5 =	simm.s32 @!p2 $0x0  }
0x1d: {  	s5 =	simm.s32 @p1 $0x1;
	p0 =	seq.s32 s7, s2  }
0x1e: {  	s7 =	smul.u32 @!p0 $0xF7A, s2;
	p2 =	seq.s32 @!p0 s5, $0x0  }
0x1f: {  	s9 =	smul.u32 $0xF7A, s1;
	s8 =	simm.s32 @!p0 $0x1BF5;
	p2 =	por !p2, p0  }
0x20: {  	[sflag:s8] =	ssyncset.s32 @!p0 $0xFFFFF086;
	s6 =	sadd.s32 @!p0 s3, s7;
	s7 =	simm.s32 @!p0 $0x108  }
0x21: {  	s3 =	sadd.s32 s3, s9;
	s6 =	sadd.s32 @!p0 $0x88, s6;
	s7 =	simm.s32 @p2 $0x1082  }
0x22: {  	[simem:s7], [sflag:s8] =	dma.local @!p0 [hbm:s6], $0xF7A  }
0x23: {  	s9 =	sor.u32 $0xD0000000, s2;
	s6 =	simm.s32 $0x108;
	_ =	swait.ge @!p0 [sflag:s8], $0x0  }
0x24: {  	s3 =	sadd.s32 $0x88, s3;
	s6 =	simm.s32 @!p1 $0x1082;
	[sflag:s4] =	ssyncset.s32 $0xFFFFF086  }
0x25: {  	[simem:s6], [sflag:s4] =	dma.local [hbm:s3], $0xF7A  }
0x26: {  	[smem:$0x3F9C] =	sst s1;
	(tag) =	ssettag s2;
	_ =	strace s9  }
0x27: {  	s1 =	sld [smem:$0x3FAC]  }
0x28: {  	s2 =	sld [smem:$0x3FAD]  }
0x29: {  	s4 =	sld [smem:$0x3FAF]  }
0x2a: {  	p0 =	seq.s32 s5, $0x0;
	s5 =	sld [smem:$0x3FB0]  }
0x2b: {  	s6 =	sld [smem:$0x3FB1]  }
0x2c: {  	s7 =	sld [smem:$0x3FB2]  }
0x2d: {  	s3 =	simm.s32 $0x108;
	s8 =	sld [smem:$0x3FB3]  }
0x2e: {  	s3 =	simm.s32 @!p0 $0x1082;
	s9 =	sld [smem:$0x3FB4]  }
0x2f: {  	lr =	sadd.s32 s0, s3;
	s0 =	sld [smem:$0x3FAB]  }
0x30: {  	s3 =	sld [smem:$0x3FAE]  }
0x31: {  	[smem:$0x3FB7] =	sst s10  }
0x32: {  	s10 =	sld [smem:$0x3FB5];
	_ =	sdelay $0x3  }
0x33: {  	p0 =	seq.s32 s10, $0x1;
	s10 =	sld [smem:$0x3FB7];
	_ =	sdelay $0x3  }
0x34: {  	[smem:$0x3FB7] =	sst s10  }
0x35: {  	s10 =	sld [smem:$0x3FB6];
	_ =	sdelay $0x3  }
0x36: {  	p1 =	seq.s32 s10, $0x1;
	s10 =	sld [smem:$0x3FB7];
	_ =	sdelay $0x3  }
0x37: {  	[smem:$0x3FB7] =	sst s10  }
0x38: {  	s10 =	sld [smem:$0x3FB8]  }
0x39: {  	_ = 	snop;
	(pc) =	sbr.ind lr, $3  }
0x3a: {  	_ = 	snop  }
0x3b: {  	_ = 	snop  }
0x3c: {  	p2 =	seq.s32 s10, $0x1;
	s10 =	sld [smem:$0x3FB7]  }
0x3d: {  	_ =	shalt  }
0x3e: {  	_ =	shalt  }
0x3f: {  	_ =	shalt  }
0x40: {  	_ =	shalt  }
0x41: {  	_ =	shalt  }
0x42: {  	_ =	shalt  }
0x43: {  	_ =	shalt  }
0x44: {  	_ =	shalt  }
0x45: {  	_ =	shalt  }
0x46: {  	_ =	shalt  }
0x47: {  	_ =	shalt  }
0x48: {  	_ =	shalt  }
0x49: {  	_ =	shalt  }
0x4a: {  	_ =	shalt  }
0x4b: {  	_ =	shalt  }
0x4c: {  	_ =	shalt  }
0x4d: {  	_ =	shalt  }
0x4e: {  	_ =	shalt  }
0x4f: {  	_ =	shalt  }
0x50: {  	_ =	shalt  }
0x51: {  	_ =	shalt  }
0x52: {  	_ =	shalt  }
0x53: {  	_ =	shalt  }
0x54: {  	_ =	shalt  }
0x55: {  	_ =	shalt  }
0x56: {  	_ =	shalt  }
0x57: {  	_ =	shalt  }
0x58: {  	_ =	shalt  }
0x59: {  	_ =	shalt  }
0x5a: {  	_ =	shalt  }
0x5b: {  	_ =	shalt  }
0x5c: {  	_ =	shalt  }
0x5d: {  	_ =	shalt  }
0x5e: {  	_ =	shalt  }
0x5f: {  	_ =	shalt  }
0x60: {  	_ =	shalt  }
0x61: {  	_ =	shalt  }
0x62: {  	_ =	shalt  }
0x63: {  	_ =	shalt  }
0x64: {  	_ =	shalt  }
0x65: {  	_ =	shalt  }
0x66: {  	_ =	shalt  }
0x67: {  	_ =	shalt  }
0x68: {  	_ =	shalt  }
0x69: {  	_ =	shalt  }
0x6a: {  	_ =	shalt  }
0x6b: {  	_ =	shalt  }
0x6c: {  	_ =	shalt  }
0x6d: {  	_ =	shalt  }
0x6e: {  	_ =	shalt  }
0x6f: {  	_ =	shalt  }
0x70: {  	_ =	shalt  }
0x71: {  	_ =	shalt  }
0x72: {  	_ =	shalt  }
0x73: {  	_ =	shalt  }
0x74: {  	_ =	shalt  }
0x75: {  	_ =	shalt  }
0x76: {  	_ =	shalt  }
0x77: {  	_ =	shalt  }
0x78: {  	_ =	shalt  }
0x79: {  	_ =	shalt  }
0x7a: {  	_ =	shalt  }
0x7b: {  	_ =	shalt  }
0x7c: {  	_ =	shalt  }
0x7d: {  	_ =	shalt  }
0x7e: {  	_ =	shalt  }
0x7f: {  	_ =	shalt  }
0x80: {  	_ =	shalt  }
0x81: {  	_ =	shalt  }
0x82: {  	_ =	shalt  }
0x83: {  	_ =	shalt  }
0x84: {  	_ =	shalt  }
0x85: {  	_ =	shalt  }
0x86: {  	_ =	shalt  }
0x87: {  	_ =	shalt  }
.Lfunc_end0:
.L_simem_size_0:
called_computation.1_lowered:
.L_overlay_start_0:
0x88: {  	s0 =	sld [smem:$0x3FD9]  }
0x89: {  	s1 =	sld [smem:$0x3FFE];
	_ =	sdelay $0x3  }
0x8a: {  	s0 =	sadd.s32 s1, s0  }
0x8b: {  	[smem:$0x3FC3] =	sst s0  }
0x8c: {  	_ = 	snop  }
0x8d: {  	s0 =	sld [smem:$0x3FC8]  }
0x8e: {  	s16 =	sld [smem:$0x3FC7];
	(tm) =	ssettm $0x1  }
0x8f: {  	s2 =	sld [smem:$0x3FFB];
	_ =	sdelay $0x3  }
0x90: {  	_ =	strace s2  }
0x91: {  	s2 =	sld [smem:$0x3FFC];
	_ =	sdelay $0x3  }
0x92: {  	_ =	strace s2  }
0x93: {  	s2 =	sld [smem:$0x3FFD];
	_ =	sdelay $0x3  }
0x94: {  	_ =	strace s2  }
0x95: {  	_ =	strace $0x8FFFFFFF  }
0x96: {  	s17 =	sld [smem:$0x3FDB];
	_ =	sdelay $0x1  }
0x97: {  	s3 =	simm.s32 $_scs_section_size  }
0x98: {  	s4 =	simm.s32 $_size__tile_overlayer_lowered;
	s5 =	simm.s32 $_tile_overlayer_lowered  }
0x99: {  	s20 =	simm.s32 $0x1BFF;
	s19 =	sshll.u32 s5, $0x1;
	s2 =	sadd.s32 s3, s17  }
0x9a: {  	s6 =	simm.s32 $0x0;
	s18 =	sshll.u32 s4, $0x1;
	s4 =	sadd.s32 s19, s2  }
0x9b: {  	[timem:s6], [sflag:s20] =	dma.local [hbm:s4], s18  }
0x9c: {  	_ =	swait.ge [sflag:s20], s18  }
0x9d: {  	s3 =	ssub.s32 $0x0, s18;
	[sflag:s20] =	ssyncset.done $0x0  }
0x9e: {  	[sflag:s20] =	ssyncadd.s32 s3;
	_ =	sdelay $0x1  }
0x9f: {  	s21 =	simm.s32 $0x1B8B  }
0xa0: {  	_ =	swait.ge [sflag:s21], $0x1  }
0xa1: {  	[sflag:s21] =	ssyncset.done $0x0  }
0xa2: {  	s23 =	simm.s32 $0x1B8E;
	s22 =	sld [smem:$0x3FFE];
	[sflag:s21] =	ssyncadd.s32 $0xFFFFFFFF  }
0xa3: {  	s24 =	simm.s32 $execute0_lowered;
	[smem:$0x3FD2] =	sst s23  }
0xa4: {  	s4 =	sshll.u32 s24, $0x1;
	_ =	strace $0x80000046;
	[dreg:$0x1] =	wrdreg $0xFFFFFFFF  }
0xa5: {  	s25 =	simm.s32 $_size_execute0_lowered;
	s2 =	sadd.s32 s2, s4;
	[dreg:$0x0] =	wrdreg $0x0  }
0xa6: {  	s4 =	sshll.u32 s25, $0x1;
	[dreg:$0x2] =	wrdreg s2  }
0xa7: {  	[dreg:$0x3] =	wrdreg s4  }
0xa8: {  	[dreg:$0x4] =	wrdreg $0xC0  }
0xa9: {  	_ =	task [dreg:s6], $0x5FFFF  }
0xaa: {  	[dreg:$0x1] =	wrdreg $0xFFFFFFFF  }
0xab: {  	[dreg:$0x0] =	wrdreg $0x60  }
0xac: {  	[dreg:$0x2] =	wrdreg s0  }
0xad: {  	[dreg:$0x3] =	wrdreg s16  }
0xae: {  	[dreg:$0x4] =	wrdreg s22  }
0xaf: {  	[dreg:$0x5] =	wrdreg $0xA  }
0xb0: {  	_ =	task.clear_ibuf [dreg:s6], $0x6FFFF;
	_ =	strace $0x90000046  }
0xb1: {  	s26 =	simm.s32 $0xA;
	_ =	strace $0x80000048  }
0xb2: {  	_ =	swait.ge [sflag:s26], $0x1  }
0xb3: {  	[sflag:s26] =	ssyncadd.s32 $0xFFFFFFFF  }
0xb4: {  	_ =	strace $0x90000048  }
0xb5: {  	_ =	sfence  }
0xb6: {  	s28 =	sld [smem:$0x0];
	_ =	sdelay $0x1  }
0xb7: {  	s29 =	srdreg.scid  }
0xb8: {  	s30 =	sshll.u32 s29, $0xD;
	s31 =	sshrl.u32 s29, $0x2  }
0xb9: {  	s1 =	sand.u32 $0x1, s29;
	s2 =	sand.u32 $0x4000, s30;
	s0 =	sadd.s32 s31, s28  }
0xba: {  	s1 =	sor.u32 s2, s1;
	s0 =	sshll.u32 s0, $0x11  }
0xbb: {  	s0 =	sor.u32 s0, s1  }
0xbc: {  	s0 =	sadd.s32 $0x8F2B, s0  }
0xbd: {  	[sflag:s0] =	ssyncadd.remote.s32 $0x1  }
0xbe: {  	_ =	sfence.sel $0xFFFF  }
0xbf: {  	[dreg:$0x0] =	wrdreg $0xFFFFFFFF;
	(pc) =	sbr.abs _section_cstart, $3  }
0xc0: {  	[dreg:$0x1] =	wrdreg $0xFFFFFFFF  }
0xc1: {  	_ =	task.clear_ibuf [dreg:s6], $0x2FFFF;
	_ =	strace $0x9FFFFFFF  }
0xc2: {  	(tm) =	ssettm $0x7FFFFFFF  }
0xc3: {  	_ =	shalt  }
tec
execute0_lowered:
.L_overlay_start_1:
0x0: {  	(tag) =	ssettag $0x1  }
0x1: {  	s3 =	rddreg [dreg:$0x0]  }
0x2: {  	s5 =	rddreg [dreg:$0x1]  }
0x3: {  	s7 =	rddreg [dreg:$0x2]  }
0x4: {  	s0 =	rddreg [dreg:$0x3];
	s6 =	simm.s32 $0x0;
	s1 =	stileid.u32  }
0x5: {  	s4 =	simm.s32 $0x10100;
	[smem:$0x7FF] =	sst s6;
	s2 =	sshll.u32 s1, $0x5  }
0x6: {  	s30 =	simm.s32 $0x3;
	v0 =	vlaneseq.u32;
	_ =	strace $0x80000047;
	s3 =	sadd.s32 s3, s2  }
0x7: {  	v1 =	vor.u32 s6, v0;
	[tilespmem:s4], [sflag:$0x3] =	stream.linear.gather [hbm4b:s3+s6], $0x100, $0x38;
	[tilespmem:$0x10300] =	vst v63  }
0x8: {  	_ =	swait.ge [sflag:s30], $0x100  }
0x9: {  	[sflag:s30] =	ssyncset.done $0x0  }
0xa: {  	s31 =	simm.s32 $0x100;
	[sflag:s30] =	ssyncadd.s32 $0xFFFFFF00  }
0xb: {  	[tilespmem:s6], [sflag:$0x1] =	stream.indirect.gather [hbm4b:s5+s31], $0x80, s4, s31, $0xb8;
	[tilespmem:$0x10300] =	vst v63  }
0xc: {  	s8 =	simm.s32 $0x10;
	v3 =	vld.idx.msk [tilespmem:v1+s4+$0x0], $0xffff  }
0xd: {  	v2 =	vor.u32 s8, v0;
	s8 =	simm.s32 $0x20;
	s3 =	sadd.s32 $0x14E00, s7  }
0xe: {  	s6 =	sadd.s32 $0x1C00, s7;
	s5 =	sadd.s32 $0x4E00, s7;
	s7 =	simm.s32 $0x10200  }
.LBB2_1:
0xf: {  	p0 =	sne.s32 s8, $0xF0;
	_ =	sdelay $0x1  }
0x10: {  	v3 =	vshra.s32 v3, $0x7  }
.Ltmp0:
0x11: {  	[tilespmem:v1+s7+$0x0] =	vst.idx.msk $0xffff, v3;
	v1 =	vmov v2;
	(pc) =	sbr.rel @p0 .LBB2_1-.Ltmp0, $2  }
0x12: {  	v3 =	vld.idx.msk [tilespmem:v2+s4+$0x0], $0xffff;
	_ =	sdelay $0x2  }
0x13: {  	v2 =	vor.u32 s8, v0;
	s8 =	sadd.s32 $0x10, s8  }
0x14: {  	_ =	sdelay $0x2  }
0x15: {  	v0 =	vshra.s32 v3, $0x7  }
0x16: {  	[tilespmem:v1+s7+$0x0] =	vst.idx.msk $0xffff, v0  }
0x17: {  	v0 =	vld.idx.msk [tilespmem:v2+s4+$0x0], $0xffff;
	_ =	sdelay $0x4  }
0x18: {  	s24 =	simm.s32 $0x100;
	v0 =	vshra.s32 v0, $0x7  }
0x19: {  	s8 =	simm.s32 $0x10200;
	s25 =	simm.s32 $0x1;
	s4 =	simm.s32 $0x8000;
	[tilespmem:v2+s7+$0x0] =	vst.idx.msk $0xffff, v0  }
0x1a: {  	[tilespmem:s4], [sflag:$0x2] =	stream.indirect.gather [hbm4b:s6+s24], $0x80, s8, s24, $0xb8;
	[tilespmem:$0x10300] =	vst v63  }
0x1b: {  	_ =	swait.ge [sflag:s25], $0x8000  }
0x1c: {  	s26 =	sshll.u32 s1, $0xC;
	s28 =	simm.s32 $0x0;
	[sflag:s25] =	ssyncset.done $0x0  }
0x1d: {  	s29 =	simm.s32 $0x3;
	s5 =	sadd.s32 s5, s26;
	[sflag:s25] =	ssyncadd.s32 $0xFFFF8000  }
0x1e: {  	[hbm4b:s5+s28] =	stream.linear.scatter [tilespmem:s28], [sflag:$0x3], $0x8000, $0x38;
	[tilespmem:$0x10300] =	vst v63  }
0x1f: {  	v0 =	vlaneseq.u32;
	_ =	swait.ge [sflag:s29], $0x8000  }
0x20: {  	v1 =	vor.u32 s28, v0;
	[sflag:s29] =	ssyncset.done $0x0  }
0x21: {  	s30 =	simm.s32 $0x2;
	[sflag:s29] =	ssyncadd.s32 $0xFFFF8000  }
0x22: {  	_ =	swait.ge [sflag:s30], $0x8000  }
0x23: {  	[sflag:s30] =	ssyncset.done $0x0  }
0x24: {  	s5 =	simm.s32 $0x10100;
	[sflag:s30] =	ssyncadd.s32 $0xFFFF8000  }
0x25: {  	v2 =	vld.idx.msk [tilespmem:v1+s5+$0x0], $0xffff;
	_ =	sdelay $0x4  }
0x26: {  	v3 =	vshll.u32 v1, $0x7;
	v2 =	vand.u32 $0x7F, v2  }
0x27: {  	v2 =	vor.u32 v3, v2;
	_ =	sdelay $0x4  }
0x28: {  	s31 =	simm.s32 $0x10;
	v3 =	vld.idx.msk [tilespmem:v2+s4+$0x0], $0xffff  }
0x29: {  	s7 =	simm.s32 $0x20;
	s6 =	simm.s32 $0x10000;
	v2 =	vor.u32 s31, v0  }
.LBB2_3:
0x2a: {  	p0 =	sne.s32 s7, $0xF0;
	_ =	sdelay $0x2  }
0x2b: {  	[tilespmem:v1+s6+$0x0] =	vst.idx.msk $0xffff, v3;
	v1 =	vmov v2  }
0x2c: {  	v2 =	vld.idx.msk [tilespmem:v2+s5+$0x0], $0xffff;
	_ =	sdelay $0x5  }
0x2d: {  	v3 =	vshll.u32 v1, $0x7;
	v2 =	vand.u32 $0x7F, v2  }
0x2e: {  	v2 =	vor.u32 v3, v2;
	_ =	sdelay $0x2  }
.Ltmp1:
0x2f: {  	(pc) =	sbr.rel @p0 .LBB2_3-.Ltmp1, $3  }
0x30: {  	_ = 	snop  }
0x31: {  	v3 =	vld.idx.msk [tilespmem:v2+s4+$0x0], $0xffff;
	_ =	sdelay $0x1  }
0x32: {  	v2 =	vor.u32 s7, v0;
	s7 =	sadd.s32 $0x10, s7  }
0x33: {  	_ =	sdelay $0x3  }
0x34: {  	[tilespmem:v1+s6+$0x0] =	vst.idx.msk $0xffff, v3  }
0x35: {  	v0 =	vld.idx.msk [tilespmem:v2+s5+$0x0], $0xffff;
	_ =	sdelay $0x4  }
0x36: {  	v63 =	vshll.u32 v2, $0x7;
	v0 =	vand.u32 $0x7F, v0  }
0x37: {  	v0 =	vor.u32 v63, v0;
	_ =	sdelay $0x4  }
0x38: {  	v0 =	vld.idx.msk [tilespmem:v0+s4+$0x0], $0xffff;
	_ =	sdelay $0x3  }
0x39: {  	s2 =	sadd.s32 s3, s2  }
0x3a: {  	s29 =	simm.s32 $0x0;
	s30 =	simm.s32 $0x10000;
	s31 =	simm.s32 $0x3;
	[tilespmem:v2+s6+$0x0] =	vst.idx.msk $0xffff, v0  }
0x3b: {  	[hbm4b:s2+s29] =	stream.linear.scatter [tilespmem:s30], [sflag:$0x3], $0x100, $0x38;
	[tilespmem:$0x10300] =	vst v63  }
0x3c: {  	_ =	swait.ge [sflag:s31], $0x100  }
0x3d: {  	[sflag:s31] =	ssyncset.done $0x0  }
0x3e: {  	[sflag:s31] =	ssyncadd.s32 $0xFFFFFF00  }
0x3f: {  	_ =	sfence.sel $0x180000  }
0x40: {  	[bflag:$0x0] =	sbarrier.arrive $0xFFFF  }
0x41: {  	p0 =	sne.s32 s1, $0x0;
	_ =	strace $0x90000047  }
0x42: {  	s0 =	sadd.s32 @!p0 $0x100000, s0;
	[bflag:$0x2] =	sbarrier.arrive $0xFFFF  }
0x43: {  	[sflag:s0] =	ssyncadd.tile.s32 @!p0 $0x1;
	_ =	shalt  }
.Lfunc_end2:
_tile_overlayer_lowered:
.L_overlay_start_2:
0x44: {  	(tag) =	ssettag $0x2  }
0x45: {  	s0 =	rddreg [dreg:$0x0];
	s2 =	stileid.u32  }
0x46: {  	s1 =	rddreg [dreg:$0x1];
	p0 =	sne.s32 s2, $0x0  }
0x47: {  	s3 =	rddreg [dreg:$0x2];
	[bflag:$0x3] =	sbarrier.arrive $0xFFFF;
	s2 =	simm.s32 @!p0 $0x1C03  }
0x48: {  	[timem:s3], [sflag:s2] =	dma.local @!p0 [hbm:s0], s1  }
0x49: {  	s0 =	simm.s32 @!p0 $0x3  }
0x4a: {  	_ =	swait.ge @!p0 [sflag:s0], s1  }
0x4b: {  	s1 =	ssub.s32 @!p0 $0x0, s1;
	[sflag:s0] =	ssyncset.done @!p0 $0x0  }
0x4c: {  	[sflag:s0] =	ssyncadd.s32 @!p0 s1  }
0x4d: {  	[bflag:$0x3] =	sbarrier.arrive $0xFFFF  }
0x4e: {  	_ =	shalt  }

// kernel: sc_sample.3.cloned.1.call-start
scs
__scs_entry_jumppad:
0x0: {  	(pc) =	sbr.rel $0x88, $3  }
0x1: {  	(tag) =	ssettag $0x0;
	lr =	simm.s32 $0x1  }
0x2: {  	[smem:$0x3F9C] =	sst lr;
	_ =	strace $0xD0000000  }
0x3: {  	_ = 	snop  }
0x4: {  	_ = 	snop  }
0x5: {  	_ = 	snop  }
0x6: {  	_ = 	snop  }
0x7: {  	_ = 	snop  }
__scs_overlays_trampoline_lowered:
0x8: {  	[smem:$0x3FAB] =	sst s0  }
0x9: {  	[smem:$0x3FAC] =	sst s1  }
0xa: {  	[smem:$0x3FAD] =	sst s2  }
0xb: {  	[smem:$0x3FAE] =	sst s3  }
0xc: {  	[smem:$0x3FAF] =	sst s4  }
0xd: {  	[smem:$0x3FB0] =	sst s5  }
0xe: {  	[smem:$0x3FB1] =	sst s6  }
0xf: {  	[smem:$0x3FB2] =	sst s7  }
0x10: {  	[smem:$0x3FB3] =	sst s8  }
0x11: {  	[smem:$0x3FB4] =	sst s9;
	s0 =	simm.s32 @!p0 $0x0  }
0x12: {  	s1 =	sld [smem:$0x3F9A];
	s0 =	simm.s32 @p0 $0x1  }
0x13: {  	[smem:$0x3FB5] =	sst s0;
	s0 =	simm.s32 @!p1 $0x0  }
0x14: {  	s2 =	sld [smem:$0x3F99];
	s0 =	simm.s32 @p1 $0x1  }
0x15: {  	[smem:$0x3FB6] =	sst s0;
	s0 =	simm.s32 @!p2 $0x0  }
0x16: {  	s3 =	sld [smem:$0x3FDB];
	s0 =	simm.s32 @p2 $0x1  }
0x17: {  	s4 =	simm.s32 $0x1BF5;
	[smem:$0x3FB8] =	sst s0  }
0x18: {  	s0 =	sld [smem:$0x3F9B];
	_ =	swait.ge [sflag:s4], $0x0  }
0x19: {  	s7 =	sld [smem:$0x3F9C]  }
0x1a: {  	s8 =	sadd.s32 $0xFFFFE003, lr  }
0x1b: {  	s9 =	sadd.s32 $0xFFFFFEF7, lr;
	s5 =	simm.s32 $0xFFFFFFFF;
	p2 =	slt.u32 s8, $0xFFFFF086  }
0x1c: {  	p1 =	slt.u32 s9, $0xF7A;
	s5 =	simm.s32 @!p2 $0x0  }
0x1d: {  	s5 =	simm.s32 @p1 $0x1;
	p0 =	seq.s32 s7, s2  }
0x1e: {  	s7 =	smul.u32 @!p0 $0xF7A, s2;
	p2 =	seq.s32 @!p0 s5, $0x0  }
0x1f: {  	s9 =	smul.u32 $0xF7A, s1;
	s8 =	simm.s32 @!p0 $0x1BF5;
	p2 =	por !p2, p0  }
0x20: {  	[sflag:s8] =	ssyncset.s32 @!p0 $0xFFFFF086;
	s6 =	sadd.s32 @!p0 s3, s7;
	s7 =	simm.s32 @!p0 $0x108  }
0x21: {  	s3 =	sadd.s32 s3, s9;
	s6 =	sadd.s32 @!p0 $0x88, s6;
	s7 =	simm.s32 @p2 $0x1082  }
0x22: {  	[simem:s7], [sflag:s8] =	dma.local @!p0 [hbm:s6], $0xF7A  }
0x23: {  	s9 =	sor.u32 $0xD0000000, s2;
	s6 =	simm.s32 $0x108;
	_ =	swait.ge @!p0 [sflag:s8], $0x0  }
0x24: {  	s3 =	sadd.s32 $0x88, s3;
	s6 =	simm.s32 @!p1 $0x1082;
	[sflag:s4] =	ssyncset.s32 $0xFFFFF086  }
0x25: {  	[simem:s6], [sflag:s4] =	dma.local [hbm:s3], $0xF7A  }
0x26: {  	[smem:$0x3F9C] =	sst s1;
	(tag) =	ssettag s2;
	_ =	strace s9  }
0x27: {  	s1 =	sld [smem:$0x3FAC]  }
0x28: {  	s2 =	sld [smem:$0x3FAD]  }
0x29: {  	s4 =	sld [smem:$0x3FAF]  }
0x2a: {  	p0 =	seq.s32 s5, $0x0;
	s5 =	sld [smem:$0x3FB0]  }
0x2b: {  	s6 =	sld [smem:$0x3FB1]  }
0x2c: {  	s7 =	sld [smem:$0x3FB2]  }
0x2d: {  	s3 =	simm.s32 $0x108;
	s8 =	sld [smem:$0x3FB3]  }
0x2e: {  	s3 =	simm.s32 @!p0 $0x1082;
	s9 =	sld [smem:$0x3FB4]  }
0x2f: {  	lr =	sadd.s32 s0, s3;
	s0 =	sld [smem:$0x3FAB]  }
0x30: {  	s3 =	sld [smem:$0x3FAE]  }
0x31: {  	[smem:$0x3FB7] =	sst s10  }
0x32: {  	s10 =	sld [smem:$0x3FB5];
	_ =	sdelay $0x3  }
0x33: {  	p0 =	seq.s32 s10, $0x1;
	s10 =	sld [smem:$0x3FB7];
	_ =	sdelay $0x3  }
0x34: {  	[smem:$0x3FB7] =	sst s10  }
0x35: {  	s10 =	sld [smem:$0x3FB6];
	_ =	sdelay $0x3  }
0x36: {  	p1 =	seq.s32 s10, $0x1;
	s10 =	sld [smem:$0x3FB7];
	_ =	sdelay $0x3  }
0x37: {  	[smem:$0x3FB7] =	sst s10  }
0x38: {  	s10 =	sld [smem:$0x3FB8]  }
0x39: {  	_ = 	snop;
	(pc) =	sbr.ind lr, $3  }
0x3a: {  	_ = 	snop  }
0x3b: {  	_ = 	snop  }
0x3c: {  	p2 =	seq.s32 s10, $0x1;
	s10 =	sld [smem:$0x3FB7]  }
0x3d: {  	_ =	shalt  }
0x3e: {  	_ =	shalt  }
0x3f: {  	_ =	shalt  }
0x40: {  	_ =	shalt  }
0x41: {  	_ =	shalt  }
0x42: {  	_ =	shalt  }
0x43: {  	_ =	shalt  }
0x44: {  	_ =	shalt  }
0x45: {  	_ =	shalt  }
0x46: {  	_ =	shalt  }
0x47: {  	_ =	shalt  }
0x48: {  	_ =	shalt  }
0x49: {  	_ =	shalt  }
0x4a: {  	_ =	shalt  }
0x4b: {  	_ =	shalt  }
0x4c: {  	_ =	shalt  }
0x4d: {  	_ =	shalt  }
0x4e: {  	_ =	shalt  }
0x4f: {  	_ =	shalt  }
0x50: {  	_ =	shalt  }
0x51: {  	_ =	shalt  }
0x52: {  	_ =	shalt  }
0x53: {  	_ =	shalt  }
0x54: {  	_ =	shalt  }
0x55: {  	_ =	shalt  }
0x56: {  	_ =	shalt  }
0x57: {  	_ =	shalt  }
0x58: {  	_ =	shalt  }
0x59: {  	_ =	shalt  }
0x5a: {  	_ =	shalt  }
0x5b: {  	_ =	shalt  }
0x5c: {  	_ =	shalt  }
0x5d: {  	_ =	shalt  }
0x5e: {  	_ =	shalt  }
0x5f: {  	_ =	shalt  }
0x60: {  	_ =	shalt  }
0x61: {  	_ =	shalt  }
0x62: {  	_ =	shalt  }
0x63: {  	_ =	shalt  }
0x64: {  	_ =	shalt  }
0x65: {  	_ =	shalt  }
0x66: {  	_ =	shalt  }
0x67: {  	_ =	shalt  }
0x68: {  	_ =	shalt  }
0x69: {  	_ =	shalt  }
0x6a: {  	_ =	shalt  }
0x6b: {  	_ =	shalt  }
0x6c: {  	_ =	shalt  }
0x6d: {  	_ =	shalt  }
0x6e: {  	_ =	shalt  }
0x6f: {  	_ =	shalt  }
0x70: {  	_ =	shalt  }
0x71: {  	_ =	shalt  }
0x72: {  	_ =	shalt  }
0x73: {  	_ =	shalt  }
0x74: {  	_ =	shalt  }
0x75: {  	_ =	shalt  }
0x76: {  	_ =	shalt  }
0x77: {  	_ =	shalt  }
0x78: {  	_ =	shalt  }
0x79: {  	_ =	shalt  }
0x7a: {  	_ =	shalt  }
0x7b: {  	_ =	shalt  }
0x7c: {  	_ =	shalt  }
0x7d: {  	_ =	shalt  }
0x7e: {  	_ =	shalt  }
0x7f: {  	_ =	shalt  }
0x80: {  	_ =	shalt  }
0x81: {  	_ =	shalt  }
0x82: {  	_ =	shalt  }
0x83: {  	_ =	shalt  }
0x84: {  	_ =	shalt  }
0x85: {  	_ =	shalt  }
0x86: {  	_ =	shalt  }
0x87: {  	_ =	shalt  }
.Lfunc_end0:
.L_simem_size_0:
called_computation_lowered:
.L_overlay_start_0:
0x88: {  	s0 =	sld [smem:$0x3FD9]  }
0x89: {  	s1 =	sld [smem:$0x3FFE];
	_ =	sdelay $0x3  }
0x8a: {  	s0 =	sadd.s32 s1, s0  }
0x8b: {  	[smem:$0x3FC3] =	sst s0  }
0x8c: {  	_ = 	snop  }
0x8d: {  	s0 =	sld [smem:$0x3FC8]  }
0x8e: {  	s16 =	sld [smem:$0x3FC7]  }
0x8f: {  	s2 =	sld [smem:$0x3FD0];
	(tm) =	ssettm $0x1  }
0x90: {  	s3 =	sld [smem:$0x3FFB];
	_ =	sdelay $0x3  }
0x91: {  	_ =	strace s3  }
0x92: {  	s3 =	sld [smem:$0x3FFC];
	_ =	sdelay $0x3  }
0x93: {  	_ =	strace s3  }
0x94: {  	s3 =	sld [smem:$0x3FFD];
	_ =	sdelay $0x3  }
0x95: {  	_ =	strace s3  }
0x96: {  	_ =	strace $0x8FFFFFFF  }
0x97: {  	s17 =	sld [smem:$0x3FDB];
	_ =	sdelay $0x1  }
0x98: {  	s4 =	simm.s32 $_scs_section_size  }
0x99: {  	s5 =	simm.s32 $_size__tile_overlayer_lowered;
	s6 =	simm.s32 $_tile_overlayer_lowered  }
0x9a: {  	s20 =	simm.s32 $0x1BFF;
	s19 =	sshll.u32 s6, $0x1;
	s3 =	sadd.s32 s4, s17  }
0x9b: {  	s7 =	simm.s32 $0x0;
	s18 =	sshll.u32 s5, $0x1;
	s5 =	sadd.s32 s19, s3  }
0x9c: {  	[timem:s7], [sflag:s20] =	dma.local [hbm:s5], s18  }
0x9d: {  	_ =	swait.ge [sflag:s20], s18  }
0x9e: {  	s4 =	ssub.s32 $0x0, s18;
	[sflag:s20] =	ssyncset.done $0x0  }
0x9f: {  	[sflag:s20] =	ssyncadd.s32 s4;
	_ =	sdelay $0x1  }
0xa0: {  	s21 =	simm.s32 $0x1B8B  }
0xa1: {  	_ =	swait.ge [sflag:s21], $0x1  }
0xa2: {  	[sflag:s21] =	ssyncset.done $0x0  }
0xa3: {  	s23 =	simm.s32 $0x1B8E;
	s22 =	sld [smem:$0x3FFE];
	[sflag:s21] =	ssyncadd.s32 $0xFFFFFFFF  }
0xa4: {  	s24 =	simm.s32 $execute0_lowered;
	[smem:$0x3FD2] =	sst s23  }
0xa5: {  	s5 =	sshll.u32 s24, $0x1;
	_ =	strace $0x80000049;
	[dreg:$0x1] =	wrdreg $0xFFFFFFFF  }
0xa6: {  	s25 =	simm.s32 $_size_execute0_lowered;
	s3 =	sadd.s32 s3, s5;
	[dreg:$0x0] =	wrdreg $0x0  }
0xa7: {  	s5 =	sshll.u32 s25, $0x1;
	[dreg:$0x2] =	wrdreg s3  }
0xa8: {  	[dreg:$0x3] =	wrdreg s5  }
0xa9: {  	[dreg:$0x4] =	wrdreg $0xC0  }
0xaa: {  	_ =	task [dreg:s7], $0x5FFFF  }
0xab: {  	[dreg:$0x1] =	wrdreg $0xFFFFFFFF  }
0xac: {  	[dreg:$0x0] =	wrdreg $0x60  }
0xad: {  	[dreg:$0x2] =	wrdreg s22  }
0xae: {  	[dreg:$0x3] =	wrdreg s0  }
0xaf: {  	[dreg:$0x4] =	wrdreg s16  }
0xb0: {  	[dreg:$0x5] =	wrdreg s2  }
0xb1: {  	[dreg:$0x6] =	wrdreg $0xC6800  }
0xb2: {  	[dreg:$0x7] =	wrdreg $0xC6A00  }
0xb3: {  	[dreg:$0x8] =	wrdreg $0x9  }
0xb4: {  	_ =	task.clear_ibuf [dreg:s7], $0x9FFFF;
	_ =	strace $0x90000049  }
0xb5: {  	s26 =	simm.s32 $0x9;
	_ =	strace $0x8000004B  }
0xb6: {  	_ =	swait.ge [sflag:s26], $0x1  }
0xb7: {  	[sflag:s26] =	ssyncadd.s32 $0xFFFFFFFF  }
0xb8: {  	_ =	strace $0x9000004B  }
0xb9: {  	_ =	sfence  }
0xba: {  	s28 =	sld [smem:$0x0];
	_ =	sdelay $0x1  }
0xbb: {  	s29 =	srdreg.scid  }
0xbc: {  	s30 =	sshll.u32 s29, $0xD;
	s31 =	sshrl.u32 s29, $0x2  }
0xbd: {  	s1 =	sand.u32 $0x1, s29;
	s2 =	sand.u32 $0x4000, s30;
	s0 =	sadd.s32 s31, s28  }
0xbe: {  	s1 =	sor.u32 s2, s1;
	s0 =	sshll.u32 s0, $0x11  }
0xbf: {  	s0 =	sor.u32 s0, s1  }
0xc0: {  	s0 =	sadd.s32 $0x8F2B, s0  }
0xc1: {  	[sflag:s0] =	ssyncadd.remote.s32 $0x1  }
0xc2: {  	_ =	sfence.sel $0xFFFF  }
0xc3: {  	[dreg:$0x0] =	wrdreg $0xFFFFFFFF;
	(pc) =	sbr.abs _section_cstart, $3  }
0xc4: {  	[dreg:$0x1] =	wrdreg $0xFFFFFFFF  }
0xc5: {  	_ =	task.clear_ibuf [dreg:s7], $0x2FFFF;
	_ =	strace $0x9FFFFFFF  }
0xc6: {  	(tm) =	ssettm $0x7FFFFFFF  }
0xc7: {  	_ =	shalt  }
tec
execute0_lowered:
.L_overlay_start_1:
0x0: {  	(tag) =	ssettag $0x1  }
0x1: {  	s4 =	rddreg [dreg:$0x0]  }
0x2: {  	s2 =	rddreg [dreg:$0x1]  }
0x3: {  	s3 =	rddreg [dreg:$0x2]  }
0x4: {  	s1 =	rddreg [dreg:$0x3];
	s7 =	stileid.u32  }
0x5: {  	s6 =	rddreg [dreg:$0x4];
	s10 =	smul.u32 $0x1900, s7  }
0x6: {  	s5 =	rddreg [dreg:$0x5]  }
0x7: {  	s0 =	rddreg [dreg:$0x6];
	s8 =	simm.s32 $0x0;
	s9 =	sshrl.u32 s10, $0x3  }
0x8: {  	[smem:$0x7FF] =	sst s8;
	s9 =	sadd.s32 s9, s4  }
0x9: {  	s31 =	simm.s32 $0x3;
	_ =	strace $0x8000004A;
	s11 =	sadd.s32 $0x18200, s9  }
0xa: {  	[tilespmem:s8], [sflag:$0x3] =	stream.linear.gather [hbm4b:s11+s8], $0x1900, $0x38;
	[tilespmem:$0xC6C0] =	vst v63  }
0xb: {  	_ =	swait.ge [sflag:s31], $0x1900  }
0xc: {  	[sflag:s31] =	ssyncset.done $0x0  }
0xd: {  	s12 =	simm.s32 $0x1900;
	s9 =	sadd.s32 $0x15000, s9;
	[sflag:s31] =	ssyncadd.s32 $0xFFFFE700  }
0xe: {  	[tilespmem:s12], [sflag:$0x3] =	stream.linear.gather [hbm4b:s9+s8], $0x1900, $0x38;
	[tilespmem:$0xC6C0] =	vst v63  }
0xf: {  	_ =	swait.ge [sflag:s31], $0x1900  }
0x10: {  	[sflag:s31] =	ssyncset.done $0x0  }
0x11: {  	s9 =	simm.s32 $0x3200;
	[sflag:s31] =	ssyncadd.s32 $0xFFFFE700  }
0x12: {  	[tilespmem:s9], [sflag:$0x3] =	stream.linear.gather [hbm4b:s2+s8], $0x1000, $0x38;
	[tilespmem:$0xC6C0] =	vst v63  }
0x13: {  	v0 =	vmov s10;
	s10 =	sadd.s32 $0x1900, s10;
	_ =	swait.ge [sflag:s31], $0x1000  }
0x14: {  	v1 =	vmov s10;
	s10 =	simm.s32 $0x0;
	[sflag:s31] =	ssyncset.done $0x0  }
0x15: {  	v2 =	vlaneseq.u32;
	v3 =	vimm.f32 $0.0e+00;
	s2 =	sadd.s32 $0x1C00, s4;
	s4 =	sadd.s32 $0x1B400, s4;
	[sflag:s31] =	ssyncadd.s32 $0xFFFFF000  }
.LBB2_1:
0x16: {  	v4 =	vor.u32 s10, v2;
	_ =	sdelay $0x4  }
0x17: {  	v4 =	vld.idx.msk [tilespmem:v4+s9+$0x0], $0xffff;
	_ =	sdelay $0x4  }
0x18: {  	vm0 =	vge.s32 v4, v0;
	vm1 =	vlt.s32 v4, v1  }
0x19: {  	v4 =	vsub.s32 v4, v0;
	vm0 =	vmand vm0, vm1  }
0x1a: {  	s11 =	sadd.s32 $0x10, s10;
	v4 =	vnsel vm0, $0x0, v4  }
0x1b: {  	v5 =	vor.u32 s11, v2;
	_ =	sdelay $0x3  }
0x1c: {  	[tilespmem:v4+s8+$0x0] =	vst.idx.msk vm0, v3  }
0x1d: {  	v4 =	vld.idx.msk [tilespmem:v5+s9+$0x0], $0xffff;
	_ =	sdelay $0x4  }
0x1e: {  	vm10 =	vge.s32 v4, v0;
	vm11 =	vlt.s32 v4, v1  }
0x1f: {  	v4 =	vsub.s32 v4, v0;
	vm0 =	vmand vm10, vm11  }
0x20: {  	s30 =	sadd.s32 $0x20, s10;
	v4 =	vnsel vm0, $0x0, v4  }
0x21: {  	v5 =	vor.u32 s30, v2;
	_ =	sdelay $0x3  }
0x22: {  	[tilespmem:v4+s8+$0x0] =	vst.idx.msk vm0, v3  }
0x23: {  	v4 =	vld.idx.msk [tilespmem:v5+s9+$0x0], $0xffff;
	_ =	sdelay $0x4  }
0x24: {  	vm12 =	vge.s32 v4, v0;
	vm13 =	vlt.s32 v4, v1  }
0x25: {  	v4 =	vsub.s32 v4, v0;
	vm0 =	vmand vm12, vm13  }
0x26: {  	s31 =	sadd.s32 $0x30, s10;
	v4 =	vnsel vm0, $0x0, v4  }
0x27: {  	v5 =	vor.u32 s31, v2;
	_ =	sdelay $0x3  }
0x28: {  	[tilespmem:v4+s8+$0x0] =	vst.idx.msk vm0, v3  }
0x29: {  	v4 =	vld.idx.msk [tilespmem:v5+s9+$0x0], $0xffff;
	_ =	sdelay $0x4  }
0x2a: {  	vm14 =	vge.s32 v4, v0;
	vm15 =	vlt.s32 v4, v1  }
0x2b: {  	v4 =	vsub.s32 v4, v0;
	vm0 =	vmand vm14, vm15  }
0x2c: {  	p0 =	sne.s32 s10, $0xFC0;
	v4 =	vnsel vm0, $0x0, v4  }
.Ltmp0:
0x2d: {  	_ = 	snop;
	(pc) =	sbr.rel @p0 .LBB2_1-.Ltmp0, $2  }
0x2e: {  	_ =	sdelay $0x2  }
0x2f: {  	s10 =	sadd.s32 $0x40, s10;
	[tilespmem:v4+s8+$0x0] =	vst.idx.msk vm0, v3  }
.Ltmp1:
0x30: {  	v2 =	vimm.f32 $-1.000000000e+00;
	(pc) =	sbr.rel .LBB2_3-.Ltmp1, $4  }
0x31: {  	v5 =	vimm.s32 $0x0;
	v1 =	vlaneseq.u32;
	[tilespmem:$0xC480] =	vst v2  }
0x32: {  	[tilespmem:$0xC500] =	vst v5;
	v3 =	vmul.u32 $0xFFFFFFFF, v1  }
0x33: {  	s8 =	simm.s32 $0xBF800000;
	s11 =	simm.f32 $-1.000000000e+00;
	s9 =	simm.s32 $0x0;
	[tilespmem:$0xC580] =	vst v2  }
0x34: {  	s10 =	simm.s32 $0x1900;
	[smem:$0x0] =	sst s8;
	[tilespmem:$0xC600] =	vst v5;
	s8 =	simm.s32 $0x30;
	v2 =	vadd.s32 $0xF, v3  }
.LBB2_5:
0x35: {  	s8 =	sadd.s32 $0x40, s8  }
0x36: {  	p0 =	sne.s32 s8, $0x1930  }
.Ltmp2:
0x37: {  	_ = 	snop;
	(pc) =	sbr.rel @!p0 .LBB2_6-.Ltmp2, $1  }
0x38: {  	_ =	sdelay $0x3  }
.LBB2_3:
0x39: {  	v3 =	vor.u32 s8, v1  }
0x3a: {  	s12 =	sadd.s32 $0xFFFFFFD0, s8  }
0x3b: {  	v10 =	vor.u32 s12, v1  }
0x3c: {  	s29 =	sadd.s32 $0xFFFFFFE0, s8  }
0x3d: {  	v8 =	vor.u32 s29, v1  }
0x3e: {  	s30 =	sadd.s32 $0xFFFFFFF0, s8;
	v15 =	vld.idx.msk [tilespmem:v3+s9+$0x0], $0xffff  }
0x3f: {  	v6 =	vor.u32 s30, v1;
	v16 =	vld.idx.msk [tilespmem:v3+s10+$0x0], $0xffff  }
0x40: {  	v4 =	vld.idx.msk [tilespmem:v10+s9+$0x0], $0xffff  }
0x41: {  	v7 =	vld.idx.msk [tilespmem:v10+s10+$0x0], $0xffff  }
0x42: {  	v9 =	vld.idx.msk [tilespmem:v8+s9+$0x0], $0xffff  }
0x43: {  	v12 =	vld.idx.msk [tilespmem:v8+s10+$0x0], $0xffff  }
0x44: {  	v13 =	vld.idx.msk [tilespmem:v6+s9+$0x0], $0xffff  }
0x45: {  	v14 =	vld.idx.msk [tilespmem:v6+s10+$0x0], $0xffff;
	_ =	sdelay $0x3  }
0x46: {  	v11 =	vmul.f32 v7, v4;
	v9 =	vmul.f32 v12, v9  }
0x47: {  	v7 =	vmul.f32 v14, v13;
	v4 =	vmul.f32 v16, v15;
	_ =	sdelay $0x1  }
0x48: {  	v12 =	vmax.f32 v11, v9;
	v13 =	vmax.f32 v7, v4  }
0x49: {  	v12 =	vmax.f32 v12, v13  }
0x4a: {  	(xrf0) =	vmax.scan.msk.f32 $0xffff, v12;
	_ =	sdelay $0x5  }
0x4b: {  	v12, _, _ =	vpop (xrf0)  }
0x4c: {  	(v2sf) =	vpush v12, $0xF;
	_ =	sdelay $0xe  }
0x4d: {  	s31 =	spop (v2sf)  }
0x4e: {  	p0 =	sgt.f32 s31, s11  }
.Ltmp3:
0x4f: {  	_ = 	snop;
	(pc) =	sbr.rel @!p0 .LBB2_5-.Ltmp3, $1  }
0x50: {  	_ =	sdelay $0x3  }
0x51: {  	v10 =	vadd.s32 v0, v10  }
0x52: {  	(xrf1) =	vsort.ascd.msk.f32 $0xffff, v11, v10;
	_ =	sdelay $0xb  }
0x53: {  	v31 =	vld [tilespmem:$0xC480]  }
0x54: {  	v32 =	vld [tilespmem:$0xC500]  }
0x55: {  	v12, v13, _ =	vpop (xrf1)  }
0x56: {  	v12 =	vperm.xlane v12, v2  }
0x57: {  	v13 =	vperm.xlane v13, v2  }
0x58: {  	vm0 =	vge.f32 v31, v12  }
0x59: {  	v14 =	vsel vm0, v31, v12;
	v15 =	vsel vm0, v32, v13  }
0x5a: {  	v10 =	vsel vm0, v12, v31;
	v11 =	vsel vm0, v13, v32;
	(xrf1) =	vsort.ascd.msk.f32 $0xffff, v14, v15  }
0x5b: {  	(xrf1) =	vsort.ascd.msk.f32 $0xffff, v10, v11;
	_ =	sdelay $0xb  }
0x5c: {  	v33 =	vld [tilespmem:$0xC580]  }
0x5d: {  	v35, v34, _ =	vpop (xrf1)  }
0x5e: {  	v36, v37, _ =	vpop (xrf1)  }
0x5f: {  	v13 =	vperm.xlane v36, v2  }
0x60: {  	v14 =	vperm.xlane v37, v2  }
0x61: {  	vm9 =	vge.f32 v33, v13  }
0x62: {  	v10 =	vsel vm9, v33, v13;
	v5 =	vsel vm9, v5, v14  }
0x63: {  	(xrf1) =	vsort.ascd.msk.f32 $0xffff, v10, v5;
	v5 =	vadd.s32 v0, v8  }
0x64: {  	(xrf1) =	vsort.ascd.msk.f32 $0xffff, v9, v5;
	_ =	sdelay $0xa  }
0x65: {  	[tilespmem:$0xC480] =	vst v35  }
0x66: {  	[tilespmem:$0xC500] =	vst v34;
	v5 =	vld [tilespmem:$0xC480]  }
0x67: {  	v40 =	vld [tilespmem:$0xC500];
	v38, v39, _ =	vpop (xrf1)  }
0x68: {  	v41, v42, _ =	vpop (xrf1)  }
0x69: {  	v11 =	vperm.xlane v41, v2  }
0x6a: {  	v12 =	vperm.xlane v42, v2  }
0x6b: {  	vm10 =	vge.f32 v5, v11  }
0x6c: {  	v43 =	vsel vm10, v5, v11;
	v44 =	vsel vm10, v40, v12  }
0x6d: {  	v5 =	vsel vm10, v11, v5;
	v10 =	vsel vm10, v12, v40;
	(xrf1) =	vsort.ascd.msk.f32 $0xffff, v43, v44  }
0x6e: {  	(xrf1) =	vsort.ascd.msk.f32 $0xffff, v5, v10;
	_ =	sdelay $0xa  }
0x6f: {  	[tilespmem:$0xC580] =	vst v38  }
0x70: {  	v5 =	vld [tilespmem:$0xC580]  }
0x71: {  	v46, v45, _ =	vpop (xrf1)  }
0x72: {  	v47, v48, _ =	vpop (xrf1)  }
0x73: {  	v11 =	vperm.xlane v47, v2  }
0x74: {  	v12 =	vperm.xlane v48, v2  }
0x75: {  	vm11 =	vge.f32 v5, v11  }
0x76: {  	v5 =	vsel vm11, v5, v11;
	v49 =	vsel vm11, v39, v12  }
0x77: {  	(xrf1) =	vsort.ascd.msk.f32 $0xffff, v5, v49;
	v5 =	vadd.s32 v0, v6  }
0x78: {  	(xrf1) =	vsort.ascd.msk.f32 $0xffff, v7, v5;
	_ =	sdelay $0xa  }
0x79: {  	[tilespmem:$0xC480] =	vst v46  }
0x7a: {  	[tilespmem:$0xC500] =	vst v45;
	v5 =	vld [tilespmem:$0xC480]  }
0x7b: {  	v50 =	vld [tilespmem:$0xC500];
	v6, v7, _ =	vpop (xrf1)  }
0x7c: {  	v52, v51, _ =	vpop (xrf1)  }
0x7d: {  	v10 =	vperm.xlane v52, v2  }
0x7e: {  	v11 =	vperm.xlane v51, v2  }
0x7f: {  	vm12 =	vge.f32 v5, v10  }
0x80: {  	v53 =	vsel vm12, v5, v10;
	v54 =	vsel vm12, v50, v11  }
0x81: {  	v5 =	vsel vm12, v10, v5;
	v8 =	vsel vm12, v11, v50;
	(xrf1) =	vsort.ascd.msk.f32 $0xffff, v53, v54  }
0x82: {  	(xrf1) =	vsort.ascd.msk.f32 $0xffff, v5, v8;
	_ =	sdelay $0xa  }
0x83: {  	[tilespmem:$0xC580] =	vst v6  }
0x84: {  	v5 =	vld [tilespmem:$0xC580]  }
0x85: {  	v6, v55, _ =	vpop (xrf1)  }
0x86: {  	v56, v57, _ =	vpop (xrf1)  }
0x87: {  	v10 =	vperm.xlane v56, v2  }
0x88: {  	v11 =	vperm.xlane v57, v2  }
0x89: {  	vm13 =	vge.f32 v5, v10  }
0x8a: {  	v5 =	vsel vm13, v5, v10;
	v58 =	vsel vm13, v7, v11  }
0x8b: {  	v3 =	vadd.s32 v0, v3;
	(xrf1) =	vsort.ascd.msk.f32 $0xffff, v5, v58  }
0x8c: {  	(xrf1) =	vsort.ascd.msk.f32 $0xffff, v4, v3;
	_ =	sdelay $0xa  }
0x8d: {  	[tilespmem:$0xC480] =	vst v6  }
0x8e: {  	[tilespmem:$0xC500] =	vst v55;
	v3 =	vld [tilespmem:$0xC480]  }
0x8f: {  	v5 =	vld [tilespmem:$0xC500];
	v4, v6, _ =	vpop (xrf1)  }
0x90: {  	v60, v59, _ =	vpop (xrf1)  }
0x91: {  	v8 =	vperm.xlane v60, v2  }
0x92: {  	v10 =	vperm.xlane v59, v2  }
0x93: {  	vm14 =	vge.f32 v3, v8  }
0x94: {  	v61 =	vsel vm14, v3, v8;
	v62 =	vsel vm14, v5, v10  }
0x95: {  	v3 =	vsel vm14, v8, v3;
	v5 =	vsel vm14, v10, v5;
	(xrf1) =	vsort.ascd.msk.f32 $0xffff, v61, v62  }
0x96: {  	(xrf1) =	vsort.ascd.msk.f32 $0xffff, v3, v5;
	_ =	sdelay $0xa  }
0x97: {  	[tilespmem:$0xC580] =	vst v4  }
0x98: {  	v3 =	vld [tilespmem:$0xC580]  }
0x99: {  	v4, v63, _ =	vpop (xrf1)  }
0x9a: {  	v5, v10, _ =	vpop (xrf1)  }
0x9b: {  	v5 =	vperm.xlane v5, v2  }
0x9c: {  	v10 =	vperm.xlane v10, v2  }
0x9d: {  	vm15 =	vge.f32 v3, v5  }
0x9e: {  	v3 =	vsel vm15, v3, v5;
	v5 =	vsel vm15, v6, v10  }
0x9f: {  	(xrf1) =	vsort.ascd.msk.f32 $0xffff, v3, v5;
	_ =	sdelay $0xd  }
0xa0: {  	v3, v5, _ =	vpop (xrf1)  }
0xa1: {  	[tilespmem:$0xC580] =	vst v3  }
0xa2: {  	v3 =	vld [tilespmem:$0xC580];
	_ =	sdelay $0x4  }
0xa3: {  	(xrf0) =	vmin.scan.msk.f32 $0xffff, v3;
	_ =	sdelay $0x5  }
0xa4: {  	v3, _, _ =	vpop (xrf0)  }
0xa5: {  	(v2sf) =	vpush v3, $0xF;
	_ =	sdelay $0xa  }
0xa6: {  	[tilespmem:$0xC600] =	vst v39  }
.Ltmp4:
0xa7: {  	[tilespmem:$0xC600] =	vst v7;
	(pc) =	sbr.rel .LBB2_5-.Ltmp4, $4  }
0xa8: {  	[tilespmem:$0xC600] =	vst v6  }
0xa9: {  	[tilespmem:$0xC480] =	vst v4  }
0xaa: {  	[tilespmem:$0xC500] =	vst v63;
	s11 =	spop (v2sf)  }
0xab: {  	[tilespmem:$0xC600] =	vst v5;
	[smem:$0x0] =	sst s11  }
.LBB2_6:
0xac: {  	v0 =	vld [tilespmem:$0xC480]  }
0xad: {  	v1 =	vld [tilespmem:$0xC580]  }
0xae: {  	v2 =	vld [tilespmem:$0xC500]  }
0xaf: {  	v3 =	vld [tilespmem:$0xC600];
	_ =	sdelay $0x1  }
0xb0: {  	[tilespmem:$0xC380] =	vst v0  }
0xb1: {  	[tilespmem:$0xC390] =	vst v1  }
0xb2: {  	s9 =	sshll.u32 s7, $0x5;
	[tilespmem:$0xC400] =	vst v2  }
0xb3: {  	s10 =	simm.s32 $0xC380;
	s8 =	sadd.s32 s9, s6;
	[tilespmem:$0xC410] =	vst v3  }
0xb4: {  	[spmem:s8] =	stream.linear.scatter [tilespmem:s10], [sflag:$0x3], $0x20, $0x38;
	[tilespmem:$0xC6C0] =	vst v63  }
0xb5: {  	s8 =	simm.s32 $0x3  }
0xb6: {  	_ =	swait.ge [sflag:s8], $0x20  }
0xb7: {  	[sflag:s8] =	ssyncset.done $0x0  }
0xb8: {  	s31 =	simm.s32 $0xC400;
	s9 =	sadd.s32 s9, s5;
	[sflag:s8] =	ssyncadd.s32 $0xFFFFFFE0  }
0xb9: {  	[spmem:s9] =	stream.linear.scatter [tilespmem:s31], [sflag:$0x3], $0x20, $0x38;
	[tilespmem:$0xC6C0] =	vst v63  }
0xba: {  	_ =	swait.ge [sflag:s8], $0x20  }
0xbb: {  	[sflag:s8] =	ssyncset.done $0x0  }
0xbc: {  	[sflag:s8] =	ssyncadd.s32 $0xFFFFFFE0  }
0xbd: {  	p0 =	sne.s32 s7, $0x0;
	[bflag:$0x0] =	sbarrier.arrive $0xFFFF  }
0xbe: {  	_ =	sfence.sel @p0 $0x180000  }
0xbf: {  	[bflag:$0x0] =	sbarrier.arrive @p0 $0xFFFF  }
0xc0: {  	_ =	strace @p0 $0x9000004A  }
0xc1: {  	[bflag:$0x2] =	sbarrier.arrive @p0 $0xFFFF  }
0xc2: {  	_ =	shalt @p0  }
.LBB2_7:
0xc3: {  	s7 =	simm.s32 $0x0  }
0xc4: {  	[tilespmem:s7], [sflag:$0x3] =	stream.linear.gather [spmem:s6], $0x200, $0x38;
	[tilespmem:$0xC6C0] =	vst v63  }
0xc5: {  	_ =	swait.ge [sflag:s8], $0x200  }
0xc6: {  	[sflag:s8] =	ssyncset.done $0x0  }
0xc7: {  	s6 =	simm.s32 $0x3200;
	[sflag:s8] =	ssyncadd.s32 $0xFFFFFE00  }
0xc8: {  	[tilespmem:s6], [sflag:$0x3] =	stream.linear.gather [spmem:s5], $0x200, $0x38;
	[tilespmem:$0xC6C0] =	vst v63  }
0xc9: {  	_ =	swait.ge [sflag:s8], $0x200  }
0xca: {  	v1 =	vlaneseq.u32;
	[sflag:s8] =	ssyncset.done $0x0  }
0xcb: {  	v0 =	vimm.f32 $-1.000000000e+00;
	v2 =	vor.u32 s7, v1;
	[sflag:s8] =	ssyncadd.s32 $0xFFFFFE00  }
0xcc: {  	v3 =	vimm.s32 $0x0;
	[tilespmem:$0xC480] =	vst v0  }
0xcd: {  	[tilespmem:$0xC500] =	vst v3  }
0xce: {  	[tilespmem:$0xC580] =	vst v0  }
0xcf: {  	[tilespmem:$0xC600] =	vst v3  }
0xd0: {  	v0 =	vld.idx.msk [tilespmem:v2+s7+$0x0], $0xffff  }
0xd1: {  	v2 =	vld.idx.msk [tilespmem:v2+s6+$0x0], $0xffff;
	_ =	sdelay $0x4  }
0xd2: {  	(xrf1) =	vsort.ascd.msk.f32 $0xffff, v0, v2;
	_ =	sdelay $0xb  }
0xd3: {  	v0 =	vmul.u32 $0xFFFFFFFF, v1;
	v2 =	vld [tilespmem:$0xC480]  }
0xd4: {  	v4 =	vld [tilespmem:$0xC500]  }
0xd5: {  	v0 =	vadd.s32 $0xF, v0;
	v5, v6, _ =	vpop (xrf1)  }
0xd6: {  	v5 =	vperm.xlane v5, v0  }
0xd7: {  	v6 =	vperm.xlane v6, v0  }
0xd8: {  	vm0 =	vge.f32 v2, v5  }
0xd9: {  	v7 =	vsel vm0, v5, v2;
	v8 =	vsel vm0, v6, v4  }
0xda: {  	(xrf1) =	vsort.ascd.msk.f32 $0xffff, v7, v8;
	_ =	sdelay $0xa  }
0xdb: {  	v2 =	vsel vm0, v2, v5;
	v4 =	vsel vm0, v4, v6  }
0xdc: {  	(xrf1) =	vsort.ascd.msk.f32 $0xffff, v2, v4;
	v2 =	vld [tilespmem:$0xC580];
	_ =	sdelay $0x1  }
0xdd: {  	v61, v60, _ =	vpop (xrf1)  }
0xde: {  	v4 =	vperm.xlane v61, v0  }
0xdf: {  	v5 =	vperm.xlane v60, v0  }
0xe0: {  	vm15 =	vge.f32 v2, v4  }
0xe1: {  	v2 =	vsel vm15, v2, v4;
	v3 =	vsel vm15, v3, v5  }
0xe2: {  	(xrf1) =	vsort.ascd.msk.f32 $0xffff, v2, v3;
	_ =	sdelay $0x9  }
0xe3: {  	v63, v62, _ =	vpop (xrf1)  }
0xe4: {  	s31 =	simm.s32 $0x10;
	[tilespmem:$0xC480] =	vst v63  }
0xe5: {  	s5 =	simm.s32 $0x20;
	[tilespmem:$0xC500] =	vst v62;
	v2 =	vor.u32 s31, v1  }
.LBB2_8:
0xe6: {  	_ = 	snop  }
0xe7: {  	p0 =	sne.s32 s5, $0x1F0;
	s8 =	smov.u32 s5;
	s5 =	sadd.s32 $0x10, s5;
	v4, v3, _ =	vpop (xrf1)  }
0xe8: {  	[tilespmem:$0xC580] =	vst v4  }
0xe9: {  	[tilespmem:$0xC600] =	vst v3  }
0xea: {  	v4 =	vld.idx.msk [tilespmem:v2+s7+$0x0], $0xffff  }
0xeb: {  	v2 =	vld.idx.msk [tilespmem:v2+s6+$0x0], $0xffff;
	_ =	sdelay $0x5  }
0xec: {  	(xrf1) =	vsort.ascd.msk.f32 $0xffff, v4, v2;
	_ =	sdelay $0xa  }
0xed: {  	v2 =	vld [tilespmem:$0xC480]  }
0xee: {  	v4 =	vld [tilespmem:$0xC500];
	_ =	sdelay $0x1  }
0xef: {  	v5, v6, _ =	vpop (xrf1)  }
0xf0: {  	v5 =	vperm.xlane v5, v0;
	v6 =	vperm.xlane v6, v0;
	_ =	sdelay $0x1  }
0xf1: {  	vm0 =	vge.f32 v2, v5  }
0xf2: {  	v7 =	vsel vm0, v2, v5;
	v2 =	vsel vm0, v5, v2;
	v5 =	vsel vm0, v6, v4  }
0xf3: {  	v4 =	vsel vm0, v4, v6;
	(xrf1) =	vsort.ascd.msk.f32 $0xffff, v2, v5  }
0xf4: {  	(xrf1) =	vsort.ascd.msk.f32 $0xffff, v7, v4;
	_ =	sdelay $0xa  }
0xf5: {  	v2 =	vld [tilespmem:$0xC580];
	_ =	sdelay $0x1  }
0xf6: {  	v4, v5, _ =	vpop (xrf1)  }
0xf7: {  	v4 =	vperm.xlane v4, v0;
	v5 =	vperm.xlane v5, v0;
	v6, v7, _ =	vpop (xrf1)  }
0xf8: {  	[tilespmem:$0xC480] =	vst v6  }
0xf9: {  	vm0 =	vge.f32 v2, v4;
	[tilespmem:$0xC500] =	vst v7  }
0xfa: {  	v2 =	vsel vm0, v2, v4;
	v3 =	vsel vm0, v3, v5  }
0xfb: {  	(xrf1) =	vsort.ascd.msk.f32 $0xffff, v2, v3;
	_ =	sdelay $0x7  }
.Ltmp5:
0xfc: {  	(pc) =	sbr.rel @p0 .LBB2_8-.Ltmp5, $2  }
0xfd: {  	_ =	sdelay $0x2  }
0xfe: {  	v2 =	vor.u32 s8, v1  }
0xff: {  	_ = 	snop  }
0x100: {  	v1, v3, _ =	vpop (xrf1)  }
0x101: {  	[tilespmem:$0xC580] =	vst v1  }
0x102: {  	[tilespmem:$0xC600] =	vst v3  }
0x103: {  	v1 =	vld.idx.msk [tilespmem:v2+s7+$0x0], $0xffff  }
0x104: {  	v35 =	vld.idx.msk [tilespmem:v2+s6+$0x0], $0xffff;
	_ =	sdelay $0x4  }
0x105: {  	(xrf1) =	vsort.ascd.msk.f32 $0xffff, v1, v35;
	_ =	sdelay $0xb  }
0x106: {  	v36 =	vld [tilespmem:$0xC480]  }
0x107: {  	v37 =	vld [tilespmem:$0xC500]  }
0x108: {  	v4, v5, _ =	vpop (xrf1)  }
0x109: {  	v4 =	vperm.xlane v4, v0  }
0x10a: {  	v5 =	vperm.xlane v5, v0  }
0x10b: {  	vm0 =	vge.f32 v36, v4  }
0x10c: {  	v6 =	vsel vm0, v4, v36;
	v7 =	vsel vm0, v5, v37  }
0x10d: {  	(xrf1) =	vsort.ascd.msk.f32 $0xffff, v6, v7;
	_ =	sdelay $0xb  }
0x10e: {  	v38 =	vld [tilespmem:$0xC580];
	_ =	sdelay $0x1  }
0x10f: {  	v7, v8, _ =	vpop (xrf1)  }
0x110: {  	v7 =	vperm.xlane v7, v0  }
0x111: {  	v1 =	vsel vm0, v36, v4;
	v2 =	vsel vm0, v37, v5;
	v39 =	vperm.xlane v8, v0  }
0x112: {  	(xrf1) =	vsort.ascd.msk.f32 $0xffff, v1, v2;
	vm14 =	vge.f32 v38, v7  }
0x113: {  	v40 =	vsel vm14, v38, v7;
	v0 =	vsel vm14, v3, v39  }
0x114: {  	(xrf1) =	vsort.ascd.msk.f32 $0xffff, v40, v0;
	_ =	sdelay $0x6  }
0x115: {  	v43 =	vimm.s32 $0x0  }
0x116: {  	[tilespmem:$0xC280] =	vst v43  }
0x117: {  	[tilespmem:$0xC290] =	vst v43  }
0x118: {  	[tilespmem:$0xC2A0] =	vst v43  }
0x119: {  	[tilespmem:$0xC2B0] =	vst v43  }
0x11a: {  	[tilespmem:$0xC2C0] =	vst v43;
	v0, v1, _ =	vpop (xrf1)  }
0x11b: {  	[tilespmem:$0xC500] =	vst v1  }
0x11c: {  	[tilespmem:$0xC2D0] =	vst v43;
	v44 =	vld [tilespmem:$0xC500];
	v41, v42, _ =	vpop (xrf1)  }
0x11d: {  	v45 =	vlaneseq.u32;
	vm15 =	vcmask $0x3F30;
	[tilespmem:$0xC600] =	vst v42  }
0x11e: {  	v47 =	vadd.s32 $0x4, v45;
	[tilespmem:$0xC2E0] =	vst v43;
	v46 =	vld [tilespmem:$0xC600]  }
0x11f: {  	[tilespmem:$0xC2F0] =	vst v43  }
0x120: {  	[tilespmem:$0xC480] =	vst v0  }
0x121: {  	[tilespmem:$0xC280] =	vst v44  }
0x122: {  	s5 =	simm.s32 $0xC280;
	[tilespmem:$0xC580] =	vst v41  }
0x123: {  	s23 =	simm.s32 $0x80;
	s8 =	simm.s32 $0x4200;
	s24 =	simm.s32 $0x1;
	[tilespmem:v47+s5+$0x0] =	vst.idx.msk vm15, v46  }
0x124: {  	[tilespmem:s8], [sflag:$0x1] =	stream.indirect.gather [hbm4b:s3+s23], $0x80, s5, s23, $0xb8;
	[tilespmem:$0xC6C0] =	vst v63  }
0x125: {  	_ =	swait.ge [sflag:s24], $0x4000  }
0x126: {  	[sflag:s24] =	ssyncset.done $0x0  }
0x127: {  	s25 =	simm.s32 $0x0;
	s26 =	simm.s32 $0x3;
	[sflag:s24] =	ssyncadd.s32 $0xFFFFC000  }
0x128: {  	[hbm4b:s4+s25] =	stream.linear.scatter [tilespmem:s8], [sflag:$0x3], $0x4000, $0x38;
	[tilespmem:$0xC6C0] =	vst v63  }
0x129: {  	_ =	swait.ge [sflag:s26], $0x4000  }
0x12a: {  	[sflag:s26] =	ssyncset.done $0x0  }
0x12b: {  	[sflag:s26] =	ssyncadd.s32 $0xFFFFC000  }
0x12c: {  	v48 =	vld.idx.msk [tilespmem:v45+s5+$0x0], $0xffff;
	_ =	sdelay $0x1  }
0x12d: {  	v49 =	vor.u32 $0x10, v45;
	_ =	sdelay $0x2  }
0x12e: {  	s28 =	simm.s32 $0xC300;
	v0 =	vshra.s32 v48, $0x7  }
0x12f: {  	[tilespmem:v45+s28+$0x0] =	vst.idx.msk $0xffff, v0  }
0x130: {  	v0 =	vld.idx.msk [tilespmem:v49+s5+$0x0], $0xffff;
	_ =	sdelay $0x1  }
0x131: {  	v50 =	vor.u32 $0x20, v45;
	_ =	sdelay $0x2  }
0x132: {  	v0 =	vshra.s32 v0, $0x7  }
0x133: {  	[tilespmem:v49+s28+$0x0] =	vst.idx.msk $0xffff, v0  }
0x134: {  	v0 =	vld.idx.msk [tilespmem:v50+s5+$0x0], $0xffff;
	_ =	sdelay $0x1  }
0x135: {  	v51 =	vor.u32 $0x30, v45;
	_ =	sdelay $0x2  }
0x136: {  	v0 =	vshra.s32 v0, $0x7  }
0x137: {  	[tilespmem:v50+s28+$0x0] =	vst.idx.msk $0xffff, v0  }
0x138: {  	v0 =	vld.idx.msk [tilespmem:v51+s5+$0x0], $0xffff;
	_ =	sdelay $0x1  }
0x139: {  	v52 =	vor.u32 $0x40, v45;
	_ =	sdelay $0x2  }
0x13a: {  	v0 =	vshra.s32 v0, $0x7  }
0x13b: {  	[tilespmem:v51+s28+$0x0] =	vst.idx.msk $0xffff, v0  }
0x13c: {  	v0 =	vld.idx.msk [tilespmem:v52+s5+$0x0], $0xffff;
	_ =	sdelay $0x1  }
0x13d: {  	v53 =	vor.u32 $0x50, v45;
	_ =	sdelay $0x2  }
0x13e: {  	v0 =	vshra.s32 v0, $0x7  }
0x13f: {  	[tilespmem:v52+s28+$0x0] =	vst.idx.msk $0xffff, v0  }
0x140: {  	v0 =	vld.idx.msk [tilespmem:v53+s5+$0x0], $0xffff;
	_ =	sdelay $0x1  }
0x141: {  	v54 =	vor.u32 $0x60, v45;
	_ =	sdelay $0x2  }
0x142: {  	v0 =	vshra.s32 v0, $0x7  }
0x143: {  	[tilespmem:v53+s28+$0x0] =	vst.idx.msk $0xffff, v0  }
0x144: {  	v0 =	vld.idx.msk [tilespmem:v54+s5+$0x0], $0xffff;
	_ =	sdelay $0x1  }
0x145: {  	v55 =	vor.u32 $0x70, v45;
	_ =	sdelay $0x2  }
0x146: {  	v0 =	vshra.s32 v0, $0x7  }
0x147: {  	[tilespmem:v54+s28+$0x0] =	vst.idx.msk $0xffff, v0  }
0x148: {  	v0 =	vld.idx.msk [tilespmem:v55+s5+$0x0], $0xffff;
	_ =	sdelay $0x4  }
0x149: {  	v0 =	vshra.s32 v0, $0x7  }
0x14a: {  	s29 =	simm.s32 $0x8200;
	s30 =	simm.s32 $0x2;
	[tilespmem:v55+s28+$0x0] =	vst.idx.msk $0xffff, v0  }
0x14b: {  	[tilespmem:s29], [sflag:$0x2] =	stream.indirect.gather [hbm4b:s2+s23], $0x80, s28, s23, $0xb8;
	[tilespmem:$0xC6C0] =	vst v63  }
0x14c: {  	_ =	swait.ge [sflag:s30], $0x4000  }
0x14d: {  	[sflag:s30] =	ssyncset.done $0x0  }
0x14e: {  	[sflag:s30] =	ssyncadd.s32 $0xFFFFC000  }
0x14f: {  	v56 =	vld.idx.msk [tilespmem:v45+s5+$0x0], $0xffff;
	_ =	sdelay $0x3  }
0x150: {  	v9 =	vmul.u32 $0x80, v45  }
0x151: {  	v0 =	vand.u32 $0x7F, v56  }
0x152: {  	v0 =	vor.u32 v9, v0;
	_ =	sdelay $0x4  }
0x153: {  	v0 =	vld.idx.msk [tilespmem:v0+s29+$0x0], $0xffff;
	_ =	sdelay $0x3  }
0x154: {  	s31 =	simm.s32 $0xC200  }
0x155: {  	[tilespmem:v45+s31+$0x0] =	vst.idx.msk $0xffff, v0  }
0x156: {  	v0 =	vld.idx.msk [tilespmem:v49+s5+$0x0], $0xffff;
	_ =	sdelay $0x4  }
0x157: {  	v57 =	vor.u32 $0x800, v9;
	v0 =	vand.u32 $0x7F, v0  }
0x158: {  	v0 =	vor.u32 v57, v0;
	_ =	sdelay $0x4  }
0x159: {  	v0 =	vld.idx.msk [tilespmem:v0+s29+$0x0], $0xffff;
	_ =	sdelay $0x4  }
0x15a: {  	[tilespmem:v49+s31+$0x0] =	vst.idx.msk $0xffff, v0  }
0x15b: {  	v0 =	vld.idx.msk [tilespmem:v50+s5+$0x0], $0xffff;
	_ =	sdelay $0x4  }
0x15c: {  	v58 =	vor.u32 $0x1000, v9;
	v0 =	vand.u32 $0x7F, v0  }
0x15d: {  	v0 =	vor.u32 v58, v0;
	_ =	sdelay $0x4  }
0x15e: {  	v0 =	vld.idx.msk [tilespmem:v0+s29+$0x0], $0xffff;
	_ =	sdelay $0x4  }
0x15f: {  	[tilespmem:v50+s31+$0x0] =	vst.idx.msk $0xffff, v0  }
0x160: {  	v0 =	vld.idx.msk [tilespmem:v51+s5+$0x0], $0xffff;
	_ =	sdelay $0x4  }
0x161: {  	v59 =	vor.u32 $0x1800, v9;
	v0 =	vand.u32 $0x7F, v0  }
0x162: {  	v0 =	vor.u32 v59, v0;
	_ =	sdelay $0x4  }
0x163: {  	v0 =	vld.idx.msk [tilespmem:v0+s29+$0x0], $0xffff;
	_ =	sdelay $0x4  }
0x164: {  	[tilespmem:v51+s31+$0x0] =	vst.idx.msk $0xffff, v0  }
0x165: {  	v0 =	vld.idx.msk [tilespmem:v52+s5+$0x0], $0xffff;
	_ =	sdelay $0x4  }
0x166: {  	v60 =	vor.u32 $0x2000, v9;
	v0 =	vand.u32 $0x7F, v0  }
0x167: {  	v0 =	vor.u32 v60, v0;
	_ =	sdelay $0x4  }
0x168: {  	v0 =	vld.idx.msk [tilespmem:v0+s29+$0x0], $0xffff;
	_ =	sdelay $0x4  }
0x169: {  	[tilespmem:v52+s31+$0x0] =	vst.idx.msk $0xffff, v0  }
0x16a: {  	v0 =	vld.idx.msk [tilespmem:v53+s5+$0x0], $0xffff;
	_ =	sdelay $0x4  }
0x16b: {  	v61 =	vor.u32 $0x2800, v9;
	v0 =	vand.u32 $0x7F, v0  }
0x16c: {  	v0 =	vor.u32 v61, v0;
	_ =	sdelay $0x4  }
0x16d: {  	v0 =	vld.idx.msk [tilespmem:v0+s29+$0x0], $0xffff;
	_ =	sdelay $0x4  }
0x16e: {  	[tilespmem:v53+s31+$0x0] =	vst.idx.msk $0xffff, v0  }
0x16f: {  	v0 =	vld.idx.msk [tilespmem:v54+s5+$0x0], $0xffff;
	_ =	sdelay $0x4  }
0x170: {  	v62 =	vor.u32 $0x3000, v9;
	v0 =	vand.u32 $0x7F, v0  }
0x171: {  	v0 =	vor.u32 v62, v0;
	_ =	sdelay $0x4  }
0x172: {  	v0 =	vld.idx.msk [tilespmem:v0+s29+$0x0], $0xffff;
	_ =	sdelay $0x4  }
0x173: {  	[tilespmem:v54+s31+$0x0] =	vst.idx.msk $0xffff, v0  }
0x174: {  	v0 =	vld.idx.msk [tilespmem:v55+s5+$0x0], $0xffff;
	_ =	sdelay $0x4  }
0x175: {  	v63 =	vor.u32 $0x3800, v9;
	v0 =	vand.u32 $0x7F, v0  }
0x176: {  	v0 =	vor.u32 v63, v0;
	_ =	sdelay $0x4  }
0x177: {  	v0 =	vld.idx.msk [tilespmem:v0+s29+$0x0], $0xffff;
	_ =	sdelay $0x4  }
0x178: {  	[tilespmem:v55+s31+$0x0] =	vst.idx.msk $0xffff, v0  }
0x179: {  	[hbm4b:s1+s25] =	stream.linear.scatter [tilespmem:s31], [sflag:$0x3], $0x80, $0x38;
	[tilespmem:$0xC6C0] =	vst v63  }
0x17a: {  	_ =	swait.ge [sflag:s26], $0x80  }
0x17b: {  	[sflag:s26] =	ssyncset.done $0x0  }
0x17c: {  	[sflag:s26] =	ssyncadd.s32 $0xFFFFFF80  }
0x17d: {  	_ =	sfence.sel $0x180000  }
0x17e: {  	[bflag:$0x0] =	sbarrier.arrive $0xFFFF  }
0x17f: {  	_ =	strace $0x9000004A  }
0x180: {  	s0 =	sadd.s32 $0x100000, s0;
	[bflag:$0x2] =	sbarrier.arrive $0xFFFF  }
0x181: {  	[sflag:s0] =	ssyncadd.tile.s32 $0x1;
	_ =	shalt  }
.Lfunc_end2:
_tile_overlayer_lowered:
.L_overlay_start_2:
0x182: {  	(tag) =	ssettag $0x2  }
0x183: {  	s0 =	rddreg [dreg:$0x0];
	s2 =	stileid.u32  }
0x184: {  	s1 =	rddreg [dreg:$0x1];
	p0 =	sne.s32 s2, $0x0  }
0x185: {  	s3 =	rddreg [dreg:$0x2];
	[bflag:$0x3] =	sbarrier.arrive $0xFFFF;
	s2 =	simm.s32 @!p0 $0x1C03  }
0x186: {  	[timem:s3], [sflag:s2] =	dma.local @!p0 [hbm:s0], s1  }
0x187: {  	s0 =	simm.s32 @!p0 $0x3  }
0x188: {  	_ =	swait.ge @!p0 [sflag:s0], s1  }
0x189: {  	s1 =	ssub.s32 @!p0 $0x0, s1;
	[sflag:s0] =	ssyncset.done @!p0 $0x0  }
0x18a: {  	[sflag:s0] =	ssyncadd.s32 @!p0 s1  }
0x18b: {  	[bflag:$0x3] =	sbarrier.arrive $0xFFFF  }
0x18c: {  	_ =	shalt  }

</sc_bundles>
